<compile_context>
chip_gen: v7x
topology: tpu7x:2x2x1
jax: 0.10.2.dev20260603
libtpu: 0.0.44.dev20260713+nightly
codegen_flags: <defaults>
</compile_context>

<pallas_src>
import jax
import jax.numpy as jnp
from jax.experimental import pallas as pl
from jax.experimental.pallas import tpu as pltpu


def _mm(a, b):
    return jax.lax.dot_general(a, b, (((1,), (0,)), ((), ())),
                               preferred_element_type=jnp.float32)


def _shift_w(a, dx, w):
    if dx == 0:
        return a
    rolled = jnp.roll(a, -dx, axis=-1)
    lane = jax.lax.broadcasted_iota(jnp.int32, (1, a.shape[-1]), 1) % w
    edge = w - 1 if dx > 0 else 0
    return jnp.where(lane == edge, jnp.bfloat16(0), rolled)


def _gelu_exact(x):
    return 0.5 * x * (1.0 + jax.lax.erf(x * 0.7071067811865476))


def _permute_taps(wn_ref, wall_ref, cin):
    wn = wn_ref[...].astype(jnp.bfloat16)
    r = jax.lax.broadcasted_iota(jnp.int32, (cin * 9, cin), 0)
    c = jax.lax.broadcasted_iota(jnp.int32, (cin * 9, cin), 1)
    sel = (r == c * 9).astype(jnp.bfloat16)
    for k in range(9):
        wk = wn if k == 0 else jnp.roll(wn, -k, axis=1)
        wall_ref[:, k * cin:(k + 1) * cin] = _mm(wk, sel).astype(jnp.bfloat16)


def kernel(combined_features, w_proj, b_proj, w_ffn1, b_ffn1, bn1_g, bn1_b,
           w_ffn2, b_ffn2, bn2_g, bn2_b, ln_g, ln_b):
    B, N, C, H, W = combined_features.shape
    F = w_ffn1.shape[0]
    TH = 8
    T = H // TH
    P = TH * W

    xflat = combined_features.reshape(B, N, C, H * W)

    wp = w_proj.reshape(w_proj.shape[0], N * C)
    bp = b_proj.reshape(-1, 1)
    w1n = w_ffn1.reshape(F, C * 9)
    w2n = w_ffn2.reshape(C, F * 9)
    g1 = bn1_g.reshape(F, 1)
    b1 = (b_ffn1 * bn1_g + bn1_b).reshape(F, 1)
    g2 = bn2_g.reshape(C, 1)
    b2 = (b_ffn2 * bn2_g + bn2_b).reshape(C, 1)
    lg = ln_g.reshape(C, 1)
    lb = ln_b.reshape(C, 1)

    def body(x_ref, wp_ref, bp_ref, w1_ref, g1_ref, b1_ref, w2_ref, g2_ref,
             b2_ref, lg_ref, lb_ref, out_ref, fprev, o1prev, wall1, wall2):
        b = pl.program_id(0)
        i = pl.program_id(1)

        @pl.when((b == 0) & (i == 0))
        def _weights():
            _permute_taps(w1_ref, wall1, C)
            _permute_taps(w2_ref, wall2, F)

        @pl.when(i == 0)
        def _init():
            fprev[...] = jnp.zeros_like(fprev)
            o1prev[...] = jnp.zeros_like(o1prev)

        x = x_ref[0]
        xc = x.reshape(N * C, P).astype(jnp.bfloat16)
        logits = _mm(wp_ref[...].astype(jnp.bfloat16), xc) + bp_ref[...]
        m = jnp.max(logits, axis=0, keepdims=True)
        e = jnp.exp(logits - m)
        wn = e / jnp.sum(e, axis=0, keepdims=True)
        fused = wn[0:1] * x[0] + wn[1:2] * x[1] + wn[2:3] * x[2]
        fused = jnp.where(i < T, fused, 0.0)

        halo_f = jnp.concatenate(
            [fprev[:, P - 2 * W:].astype(jnp.bfloat16),
             fused.astype(jnp.bfloat16)], axis=1)
        sh_f = [_shift_w(halo_f, dx, W) for dx in (-1, 0, 1)]
        acc1 = jnp.zeros((F, P), jnp.float32)
        for k in range(9):
            dy, dx = divmod(k, 3)
            acc1 = acc1 + _mm(wall1[:, k * C:(k + 1) * C],
                              sh_f[dx][:, dy * W:dy * W + P])
        out1 = _gelu_exact(acc1 * g1_ref[...] + b1_ref[...])
        ri = jax.lax.broadcasted_iota(jnp.int32, (1, P), 1) // W + i * TH - 1
        out1 = jnp.where((ri >= 0) & (ri < H), out1, 0.0).astype(jnp.bfloat16)

        @pl.when(i > 0)
        def _emit():
            halo_g = jnp.concatenate(
                [o1prev[...], out1[:, :2 * W]], axis=1)
            sh_g = [_shift_w(halo_g, dx, W) for dx in (-1, 0, 1)]
            acc2 = jnp.zeros((C, P), jnp.float32)
            for k in range(9):
                dy, dx = divmod(k, 3)
                acc2 = acc2 + _mm(wall2[:, k * F:(k + 1) * F],
                                  sh_g[dx][:, dy * W:dy * W + P])
            acc2 = acc2 * g2_ref[...] + b2_ref[...] + fprev[...]
            mu = jnp.mean(acc2, axis=0, keepdims=True)
            cen = acc2 - mu
            var = jnp.mean(cen * cen, axis=0, keepdims=True)
            out_ref[0] = cen * jax.lax.rsqrt(var + 1e-5) * lg_ref[...] \
                + lb_ref[...]

        fprev[...] = fused
        o1prev[...] = out1

    grid = (B, T + 1)
    out = pl.pallas_call(
        body,
        grid=grid,
        in_specs=[
            pl.BlockSpec((1, N, C, P),
                         lambda b, i: (b, 0, 0, jnp.minimum(i, T - 1))),
            pl.BlockSpec(wp.shape, lambda b, i: (0, 0)),
            pl.BlockSpec(bp.shape, lambda b, i: (0, 0)),
            pl.BlockSpec(w1n.shape, lambda b, i: (0, 0)),
            pl.BlockSpec(g1.shape, lambda b, i: (0, 0)),
            pl.BlockSpec(b1.shape, lambda b, i: (0, 0)),
            pl.BlockSpec(w2n.shape, lambda b, i: (0, 0)),
            pl.BlockSpec(g2.shape, lambda b, i: (0, 0)),
            pl.BlockSpec(b2.shape, lambda b, i: (0, 0)),
            pl.BlockSpec(lg.shape, lambda b, i: (0, 0)),
            pl.BlockSpec(lb.shape, lambda b, i: (0, 0)),
        ],
        out_specs=pl.BlockSpec((1, C, P),
                               lambda b, i: (b, 0, jnp.maximum(i - 1, 0))),
        out_shape=jax.ShapeDtypeStruct((B, C, H * W), jnp.float32),
        scratch_shapes=[
            pltpu.VMEM((C, P), jnp.float32),
            pltpu.VMEM((F, P), jnp.bfloat16),
            pltpu.VMEM((F, 9 * C), jnp.bfloat16),
            pltpu.VMEM((C, 9 * F), jnp.bfloat16),
        ],
        compiler_params=pltpu.CompilerParams(
            dimension_semantics=("arbitrary", "arbitrary"),
            vmem_limit_bytes=110 * 1024 * 1024,
        ),
    )(xflat, wp, bp, w1n, g1, b1, w2n, g2, b2, lg, lb)
    return out.reshape(B, C, H, W)

# --- scband reference (transcript-rebuilt; emitter-appended) ---
"""Pipeline reference for scband-as-mamba-block-14190571946063 (READ-ONLY COPY).

The authoritative reference and input builder live on the scoring server;
editing this copy changes nothing except your own understanding.
"""

import jax, jax.numpy as jnp
import numpy as np

D_MODEL = 256
D_FFN = 512
B, N, H, W = 2, 3, 128, 128


def _conv2d(x, w, b, pad):
    y = jax.lax.conv_general_dilated(
        x, w, window_strides=(1, 1), padding=[(pad, pad), (pad, pad)],
        dimension_numbers=('NCHW', 'OIHW', 'NCHW'))
    return y + b[None, :, None, None]


def setup_inputs(seed: int = 0) -> dict:
    key = jax.random.key(seed)
    ks = [jax.random.fold_in(key, i) for i in range(16)]
    inp = {}
    inp['combined_features'] = jax.random.normal(ks[0], (B, N, D_MODEL, H, W), dtype=jnp.float32)
    # weight_proj: Conv2d(3*d_model -> 3, 1x1)
    inp['w_proj'] = jax.random.normal(ks[1], (3, N * D_MODEL, 1, 1), dtype=jnp.float32) * 0.02
    inp['b_proj'] = jnp.zeros((3,), dtype=jnp.float32)
    # ffn conv1: Conv2d(d_model -> d_ffn, 3x3)
    inp['w_ffn1'] = jax.random.normal(ks[2], (D_FFN, D_MODEL, 3, 3), dtype=jnp.float32) * 0.02
    inp['b_ffn1'] = jnp.zeros((D_FFN,), dtype=jnp.float32)
    # BatchNorm2d(d_ffn) eval-mode affine params (running stats = 0 mean / 1 var)
    inp['bn1_g'] = jnp.ones((D_FFN,), dtype=jnp.float32)
    inp['bn1_b'] = jnp.zeros((D_FFN,), dtype=jnp.float32)
    # ffn conv2: Conv2d(d_ffn -> d_model, 3x3)
    inp['w_ffn2'] = jax.random.normal(ks[3], (D_MODEL, D_FFN, 3, 3), dtype=jnp.float32) * 0.02
    inp['b_ffn2'] = jnp.zeros((D_MODEL,), dtype=jnp.float32)
    inp['bn2_g'] = jnp.ones((D_MODEL,), dtype=jnp.float32)
    inp['bn2_b'] = jnp.zeros((D_MODEL,), dtype=jnp.float32)
    # LayerNorm(d_model)
    inp['ln_g'] = jnp.ones((D_MODEL,), dtype=jnp.float32)
    inp['ln_b'] = jnp.zeros((D_MODEL,), dtype=jnp.float32)
    return inp


def reference(combined_features, w_proj, b_proj, w_ffn1, b_ffn1, bn1_g, bn1_b,
              w_ffn2, b_ffn2, bn2_g, bn2_b, ln_g, ln_b):
    b, n, c, h, w = combined_features.shape
    # weight projection over concatenated branches + softmax over branch dim
    features_concat = combined_features.reshape(b, n * c, h, w)
    weights = _conv2d(features_concat, w_proj, b_proj, 0)  # [B, N, H, W]
    weights = jax.nn.softmax(weights, axis=1)
    weights = weights[:, :, None, :, :]  # [B, N, 1, H, W]
    fused = (combined_features * weights).sum(axis=1)  # [B, C, H, W]
    residual = fused
    out = _conv2d(fused, w_ffn1, b_ffn1, 1)
    out = out * bn1_g[None, :, None, None] + bn1_b[None, :, None, None]  # BN eval
    out = jax.nn.gelu(out, approximate=False)
    # dropout is identity in eval mode
    out = _conv2d(out, w_ffn2, b_ffn2, 1)
    out = out * bn2_g[None, :, None, None] + bn2_b[None, :, None, None]
    out = out + residual
    # LayerNorm over channel dim (b c h w -> b h w c -> normalize -> back)
    x = jnp.transpose(out, (0, 2, 3, 1))
    mu = x.mean(axis=-1, keepdims=True)
    var = ((x - mu) ** 2).mean(axis=-1, keepdims=True)
    x = (x - mu) / jnp.sqrt(var + 1e-5) * ln_g + ln_b
    out = jnp.transpose(x, (0, 3, 1, 2))
    return out

if __name__ == "__main__":
    import jax
    _d = setup_inputs()
    print(jax.jit(kernel)(*tuple(_d.values())))

</pallas_src>

<mosaic_0001>
module attributes {stable_mosaic.version = 14 : i64} {
  func.func @body(%arg0: i32, %arg1: i32, %arg2: memref<1x3x256x1024xf32, #tpu.memory_space<vmem>>, %arg3: memref<3x768xf32, #tpu.memory_space<vmem>>, %arg4: memref<3x1xf32, #tpu.memory_space<vmem>>, %arg5: memref<512x2304xf32, #tpu.memory_space<vmem>>, %arg6: memref<512x1xf32, #tpu.memory_space<vmem>>, %arg7: memref<512x1xf32, #tpu.memory_space<vmem>>, %arg8: memref<256x4608xf32, #tpu.memory_space<vmem>>, %arg9: memref<256x1xf32, #tpu.memory_space<vmem>>, %arg10: memref<256x1xf32, #tpu.memory_space<vmem>>, %arg11: memref<256x1xf32, #tpu.memory_space<vmem>>, %arg12: memref<256x1xf32, #tpu.memory_space<vmem>>, %arg13: memref<1x256x1024xf32, #tpu.memory_space<vmem>>, %arg14: memref<256x1024xf32, #tpu.memory_space<vmem>>, %arg15: memref<512x1024xbf16, #tpu.memory_space<vmem>>, %arg16: memref<512x2304xbf16, #tpu.memory_space<vmem>>, %arg17: memref<256x4608xbf16, #tpu.memory_space<vmem>>) attributes {dimension_semantics = [#tpu.dimension_semantics<arbitrary>, #tpu.dimension_semantics<arbitrary>], iteration_bounds = array<i64: 2, 17>, scalar_prefetch = 0 : i64, scratch_operands = 4 : i64, tpu.core_type = #tpu.core_type<tc>, window_params = [{transform_indices = @transform_0, window_bounds = array<i64: 1, 3, 256, 1024>}, {pipeline_mode = #tpu.pipeline_mode<synchronous>, transform_indices = @transform_1, window_bounds = array<i64: 3, 768>}, {pipeline_mode = #tpu.pipeline_mode<synchronous>, transform_indices = @transform_2, window_bounds = array<i64: 3, 1>}, {pipeline_mode = #tpu.pipeline_mode<synchronous>, transform_indices = @transform_3, window_bounds = array<i64: 512, 2304>}, {pipeline_mode = #tpu.pipeline_mode<synchronous>, transform_indices = @transform_4, window_bounds = array<i64: 512, 1>}, {pipeline_mode = #tpu.pipeline_mode<synchronous>, transform_indices = @transform_5, window_bounds = array<i64: 512, 1>}, {pipeline_mode = #tpu.pipeline_mode<synchronous>, transform_indices = @transform_6, window_bounds = array<i64: 256, 4608>}, {pipeline_mode = #tpu.pipeline_mode<synchronous>, transform_indices = @transform_7, window_bounds = array<i64: 256, 1>}, {pipeline_mode = #tpu.pipeline_mode<synchronous>, transform_indices = @transform_8, window_bounds = array<i64: 256, 1>}, {pipeline_mode = #tpu.pipeline_mode<synchronous>, transform_indices = @transform_9, window_bounds = array<i64: 256, 1>}, {pipeline_mode = #tpu.pipeline_mode<synchronous>, transform_indices = @transform_10, window_bounds = array<i64: 256, 1>}, {transform_indices = @transform_11, window_bounds = array<i64: 1, 256, 1024>}]} {
    %eq3A = arith.constant 0 : i32
    %eq3A_0 = arith.cmpi eq, %arg0, %eq3A : i32
    %eq3A_1 = arith.constant 0 : i32
    %eq3A_2 = arith.cmpi eq, %arg1, %eq3A_1 : i32
    %and3A = arith.andi %eq3A_0, %eq3A_2 : i1
    %convert_element_type3A = arith.extui %and3A : i1 to i32
    %cond3A = arith.constant 0 : i32
    %cond3A_3 = arith.cmpi ne, %convert_element_type3A, %cond3A : i32
    scf.if %cond3A_3 {
      %get3A_259 = arith.constant 0 : index
      %get3A_260 = arith.constant 0 : index
      %get3A_261 = vector.load %arg5[%get3A_259, %get3A_260] : memref<512x2304xf32, #tpu.memory_space<vmem>>, vector<512x2304xf32>
      %convert_element_type3A_262 = arith.truncf %get3A_261 : vector<512x2304xf32> to vector<512x2304xbf16>
      %iota3A_263 = tpu.iota {dimensions = array<i32: 0>} : vector<2304x256xi32>
      %iota3A_264 = tpu.iota {dimensions = array<i32: 1>} : vector<2304x256xi32>
      %mul3A_265 = arith.constant 9 : i32
      %mul3A_266 = vector.broadcast %mul3A_265 : i32 to vector<2304x256xi32>
      %mul3A_267 = arith.muli %iota3A_264, %mul3A_266 : vector<2304x256xi32>
      %eq3A_268 = arith.cmpi eq, %iota3A_263, %mul3A_267 : vector<2304x256xi32>
      %convert_element_type3A_269 = arith.extui %eq3A_268 : vector<2304x256xi1> to vector<2304x256xi32>
      %convert_element_type3A_270 = arith.sitofp %convert_element_type3A_269 : vector<2304x256xi32> to vector<2304x256xf32>
      %convert_element_type3A_271 = arith.truncf %convert_element_type3A_270 : vector<2304x256xf32> to vector<2304x256xbf16>
      %dot_general3A_272 = arith.constant dense<0.000000e+00> : vector<512x256xf32>
      %dot_general3A_273 = tpu.matmul %convert_element_type3A_262, %convert_element_type3A_271, %dot_general3A_272 {dimension_numbers = #tpu.dot_dimension_numbers<[1], [0], [0], [1], [0, 0, 1, 1], [], []>, transpose_lhs_hint = false} : vector<512x2304xbf16>, vector<2304x256xbf16>, vector<512x256xf32> -> vector<512x256xf32>
      %convert_element_type3A_274 = arith.truncf %dot_general3A_273 : vector<512x256xf32> to vector<512x256xbf16>
      %swap3A_275 = arith.constant 0 : index
      %swap3A_276 = arith.constant 0 : index
      %swap3A_277 = vector.load %arg16[%swap3A_275, %swap3A_276] : memref<512x2304xbf16, #tpu.memory_space<vmem>>, vector<512x256xbf16>
      tpu.vector_store %arg16[%swap3A_275, %swap3A_276], %convert_element_type3A_274 {strides = array<i32>} : memref<512x2304xbf16, #tpu.memory_space<vmem>>, vector<512x256xbf16>,
      %slice3A_278 = vector.extract_strided_slice %convert_element_type3A_262 {offsets = [0, 1], sizes = [512, 2303], strides = [1, 1]} : vector<512x2304xbf16> to vector<512x2303xbf16>
      %slice3A_279 = vector.extract_strided_slice %convert_element_type3A_262 {offsets = [0, 0], sizes = [512, 1], strides = [1, 1]} : vector<512x2304xbf16> to vector<512x1xbf16>
      %concatenate3A_280 = tpu.concatenate %slice3A_278, %slice3A_279 in 1 : vector<512x2303xbf16>, vector<512x1xbf16> -> vector<512x2304xbf16>
      %dot_general3A_281 = arith.constant dense<0.000000e+00> : vector<512x256xf32>
      %dot_general3A_282 = tpu.matmul %concatenate3A_280, %convert_element_type3A_271, %dot_general3A_281 {dimension_numbers = #tpu.dot_dimension_numbers<[1], [0], [0], [1], [0, 0, 1, 1], [], []>, transpose_lhs_hint = false} : vector<512x2304xbf16>, vector<2304x256xbf16>, vector<512x256xf32> -> vector<512x256xf32>
      %convert_element_type3A_283 = arith.truncf %dot_general3A_282 : vector<512x256xf32> to vector<512x256xbf16>
      %swap3A_284 = arith.constant 0 : index
      %swap3A_285 = arith.constant 256 : index
      %swap3A_286 = vector.load %arg16[%swap3A_284, %swap3A_285] : memref<512x2304xbf16, #tpu.memory_space<vmem>>, vector<512x256xbf16>
      tpu.vector_store %arg16[%swap3A_284, %swap3A_285], %convert_element_type3A_283 {strides = array<i32>} : memref<512x2304xbf16, #tpu.memory_space<vmem>>, vector<512x256xbf16>,
      %slice3A_287 = vector.extract_strided_slice %convert_element_type3A_262 {offsets = [0, 2], sizes = [512, 2302], strides = [1, 1]} : vector<512x2304xbf16> to vector<512x2302xbf16>
      %slice3A_288 = vector.extract_strided_slice %convert_element_type3A_262 {offsets = [0, 0], sizes = [512, 2], strides = [1, 1]} : vector<512x2304xbf16> to vector<512x2xbf16>
      %concatenate3A_289 = tpu.concatenate %slice3A_287, %slice3A_288 in 1 : vector<512x2302xbf16>, vector<512x2xbf16> -> vector<512x2304xbf16>
      %dot_general3A_290 = arith.constant dense<0.000000e+00> : vector<512x256xf32>
      %dot_general3A_291 = tpu.matmul %concatenate3A_289, %convert_element_type3A_271, %dot_general3A_290 {dimension_numbers = #tpu.dot_dimension_numbers<[1], [0], [0], [1], [0, 0, 1, 1], [], []>, transpose_lhs_hint = false} : vector<512x2304xbf16>, vector<2304x256xbf16>, vector<512x256xf32> -> vector<512x256xf32>
      %convert_element_type3A_292 = arith.truncf %dot_general3A_291 : vector<512x256xf32> to vector<512x256xbf16>
      %swap3A_293 = arith.constant 0 : index
      %swap3A_294 = arith.constant 512 : index
      %swap3A_295 = vector.load %arg16[%swap3A_293, %swap3A_294] : memref<512x2304xbf16, #tpu.memory_space<vmem>>, vector<512x256xbf16>
      tpu.vector_store %arg16[%swap3A_293, %swap3A_294], %convert_element_type3A_292 {strides = array<i32>} : memref<512x2304xbf16, #tpu.memory_space<vmem>>, vector<512x256xbf16>,
      %slice3A_296 = vector.extract_strided_slice %convert_element_type3A_262 {offsets = [0, 3], sizes = [512, 2301], strides = [1, 1]} : vector<512x2304xbf16> to vector<512x2301xbf16>
      %slice3A_297 = vector.extract_strided_slice %convert_element_type3A_262 {offsets = [0, 0], sizes = [512, 3], strides = [1, 1]} : vector<512x2304xbf16> to vector<512x3xbf16>
      %concatenate3A_298 = tpu.concatenate %slice3A_296, %slice3A_297 in 1 : vector<512x2301xbf16>, vector<512x3xbf16> -> vector<512x2304xbf16>
      %dot_general3A_299 = arith.constant dense<0.000000e+00> : vector<512x256xf32>
      %dot_general3A_300 = tpu.matmul %concatenate3A_298, %convert_element_type3A_271, %dot_general3A_299 {dimension_numbers = #tpu.dot_dimension_numbers<[1], [0], [0], [1], [0, 0, 1, 1], [], []>, transpose_lhs_hint = false} : vector<512x2304xbf16>, vector<2304x256xbf16>, vector<512x256xf32> -> vector<512x256xf32>
      %convert_element_type3A_301 = arith.truncf %dot_general3A_300 : vector<512x256xf32> to vector<512x256xbf16>
      %swap3A_302 = arith.constant 0 : index
      %swap3A_303 = arith.constant 768 : index
      %swap3A_304 = vector.load %arg16[%swap3A_302, %swap3A_303] : memref<512x2304xbf16, #tpu.memory_space<vmem>>, vector<512x256xbf16>
      tpu.vector_store %arg16[%swap3A_302, %swap3A_303], %convert_element_type3A_301 {strides = array<i32>} : memref<512x2304xbf16, #tpu.memory_space<vmem>>, vector<512x256xbf16>,
      %slice3A_305 = vector.extract_strided_slice %convert_element_type3A_262 {offsets = [0, 4], sizes = [512, 2300], strides = [1, 1]} : vector<512x2304xbf16> to vector<512x2300xbf16>
      %slice3A_306 = vector.extract_strided_slice %convert_element_type3A_262 {offsets = [0, 0], sizes = [512, 4], strides = [1, 1]} : vector<512x2304xbf16> to vector<512x4xbf16>
      %concatenate3A_307 = tpu.concatenate %slice3A_305, %slice3A_306 in 1 : vector<512x2300xbf16>, vector<512x4xbf16> -> vector<512x2304xbf16>
      %dot_general3A_308 = arith.constant dense<0.000000e+00> : vector<512x256xf32>
      %dot_general3A_309 = tpu.matmul %concatenate3A_307, %convert_element_type3A_271, %dot_general3A_308 {dimension_numbers = #tpu.dot_dimension_numbers<[1], [0], [0], [1], [0, 0, 1, 1], [], []>, transpose_lhs_hint = false} : vector<512x2304xbf16>, vector<2304x256xbf16>, vector<512x256xf32> -> vector<512x256xf32>
      %convert_element_type3A_310 = arith.truncf %dot_general3A_309 : vector<512x256xf32> to vector<512x256xbf16>
      %swap3A_311 = arith.constant 0 : index
      %swap3A_312 = arith.constant 1024 : index
      %swap3A_313 = vector.load %arg16[%swap3A_311, %swap3A_312] : memref<512x2304xbf16, #tpu.memory_space<vmem>>, vector<512x256xbf16>
      tpu.vector_store %arg16[%swap3A_311, %swap3A_312], %convert_element_type3A_310 {strides = array<i32>} : memref<512x2304xbf16, #tpu.memory_space<vmem>>, vector<512x256xbf16>,
      %slice3A_314 = vector.extract_strided_slice %convert_element_type3A_262 {offsets = [0, 5], sizes = [512, 2299], strides = [1, 1]} : vector<512x2304xbf16> to vector<512x2299xbf16>
      %slice3A_315 = vector.extract_strided_slice %convert_element_type3A_262 {offsets = [0, 0], sizes = [512, 5], strides = [1, 1]} : vector<512x2304xbf16> to vector<512x5xbf16>
      %concatenate3A_316 = tpu.concatenate %slice3A_314, %slice3A_315 in 1 : vector<512x2299xbf16>, vector<512x5xbf16> -> vector<512x2304xbf16>
      %dot_general3A_317 = arith.constant dense<0.000000e+00> : vector<512x256xf32>
      %dot_general3A_318 = tpu.matmul %concatenate3A_316, %convert_element_type3A_271, %dot_general3A_317 {dimension_numbers = #tpu.dot_dimension_numbers<[1], [0], [0], [1], [0, 0, 1, 1], [], []>, transpose_lhs_hint = false} : vector<512x2304xbf16>, vector<2304x256xbf16>, vector<512x256xf32> -> vector<512x256xf32>
      %convert_element_type3A_319 = arith.truncf %dot_general3A_318 : vector<512x256xf32> to vector<512x256xbf16>
      %swap3A_320 = arith.constant 0 : index
      %swap3A_321 = arith.constant 1280 : index
      %swap3A_322 = vector.load %arg16[%swap3A_320, %swap3A_321] : memref<512x2304xbf16, #tpu.memory_space<vmem>>, vector<512x256xbf16>
      tpu.vector_store %arg16[%swap3A_320, %swap3A_321], %convert_element_type3A_319 {strides = array<i32>} : memref<512x2304xbf16, #tpu.memory_space<vmem>>, vector<512x256xbf16>,
      %slice3A_323 = vector.extract_strided_slice %convert_element_type3A_262 {offsets = [0, 6], sizes = [512, 2298], strides = [1, 1]} : vector<512x2304xbf16> to vector<512x2298xbf16>
      %slice3A_324 = vector.extract_strided_slice %convert_element_type3A_262 {offsets = [0, 0], sizes = [512, 6], strides = [1, 1]} : vector<512x2304xbf16> to vector<512x6xbf16>
      %concatenate3A_325 = tpu.concatenate %slice3A_323, %slice3A_324 in 1 : vector<512x2298xbf16>, vector<512x6xbf16> -> vector<512x2304xbf16>
      %dot_general3A_326 = arith.constant dense<0.000000e+00> : vector<512x256xf32>
      %dot_general3A_327 = tpu.matmul %concatenate3A_325, %convert_element_type3A_271, %dot_general3A_326 {dimension_numbers = #tpu.dot_dimension_numbers<[1], [0], [0], [1], [0, 0, 1, 1], [], []>, transpose_lhs_hint = false} : vector<512x2304xbf16>, vector<2304x256xbf16>, vector<512x256xf32> -> vector<512x256xf32>
      %convert_element_type3A_328 = arith.truncf %dot_general3A_327 : vector<512x256xf32> to vector<512x256xbf16>
      %swap3A_329 = arith.constant 0 : index
      %swap3A_330 = arith.constant 1536 : index
      %swap3A_331 = vector.load %arg16[%swap3A_329, %swap3A_330] : memref<512x2304xbf16, #tpu.memory_space<vmem>>, vector<512x256xbf16>
      tpu.vector_store %arg16[%swap3A_329, %swap3A_330], %convert_element_type3A_328 {strides = array<i32>} : memref<512x2304xbf16, #tpu.memory_space<vmem>>, vector<512x256xbf16>,
      %slice3A_332 = vector.extract_strided_slice %convert_element_type3A_262 {offsets = [0, 7], sizes = [512, 2297], strides = [1, 1]} : vector<512x2304xbf16> to vector<512x2297xbf16>
      %slice3A_333 = vector.extract_strided_slice %convert_element_type3A_262 {offsets = [0, 0], sizes = [512, 7], strides = [1, 1]} : vector<512x2304xbf16> to vector<512x7xbf16>
      %concatenate3A_334 = tpu.concatenate %slice3A_332, %slice3A_333 in 1 : vector<512x2297xbf16>, vector<512x7xbf16> -> vector<512x2304xbf16>
      %dot_general3A_335 = arith.constant dense<0.000000e+00> : vector<512x256xf32>
      %dot_general3A_336 = tpu.matmul %concatenate3A_334, %convert_element_type3A_271, %dot_general3A_335 {dimension_numbers = #tpu.dot_dimension_numbers<[1], [0], [0], [1], [0, 0, 1, 1], [], []>, transpose_lhs_hint = false} : vector<512x2304xbf16>, vector<2304x256xbf16>, vector<512x256xf32> -> vector<512x256xf32>
      %convert_element_type3A_337 = arith.truncf %dot_general3A_336 : vector<512x256xf32> to vector<512x256xbf16>
      %swap3A_338 = arith.constant 0 : index
      %swap3A_339 = arith.constant 1792 : index
      %swap3A_340 = vector.load %arg16[%swap3A_338, %swap3A_339] : memref<512x2304xbf16, #tpu.memory_space<vmem>>, vector<512x256xbf16>
      tpu.vector_store %arg16[%swap3A_338, %swap3A_339], %convert_element_type3A_337 {strides = array<i32>} : memref<512x2304xbf16, #tpu.memory_space<vmem>>, vector<512x256xbf16>,
      %slice3A_341 = vector.extract_strided_slice %convert_element_type3A_262 {offsets = [0, 8], sizes = [512, 2296], strides = [1, 1]} : vector<512x2304xbf16> to vector<512x2296xbf16>
      %slice3A_342 = vector.extract_strided_slice %convert_element_type3A_262 {offsets = [0, 0], sizes = [512, 8], strides = [1, 1]} : vector<512x2304xbf16> to vector<512x8xbf16>
      %concatenate3A_343 = tpu.concatenate %slice3A_341, %slice3A_342 in 1 : vector<512x2296xbf16>, vector<512x8xbf16> -> vector<512x2304xbf16>
      %dot_general3A_344 = arith.constant dense<0.000000e+00> : vector<512x256xf32>
      %dot_general3A_345 = tpu.matmul %concatenate3A_343, %convert_element_type3A_271, %dot_general3A_344 {dimension_numbers = #tpu.dot_dimension_numbers<[1], [0], [0], [1], [0, 0, 1, 1], [], []>, transpose_lhs_hint = false} : vector<512x2304xbf16>, vector<2304x256xbf16>, vector<512x256xf32> -> vector<512x256xf32>
      %convert_element_type3A_346 = arith.truncf %dot_general3A_345 : vector<512x256xf32> to vector<512x256xbf16>
      %swap3A_347 = arith.constant 0 : index
      %swap3A_348 = arith.constant 2048 : index
      %swap3A_349 = vector.load %arg16[%swap3A_347, %swap3A_348] : memref<512x2304xbf16, #tpu.memory_space<vmem>>, vector<512x256xbf16>
      tpu.vector_store %arg16[%swap3A_347, %swap3A_348], %convert_element_type3A_346 {strides = array<i32>} : memref<512x2304xbf16, #tpu.memory_space<vmem>>, vector<512x256xbf16>,
      %get3A_350 = arith.constant 0 : index
      %get3A_351 = arith.constant 0 : index
      %get3A_352 = vector.load %arg8[%get3A_350, %get3A_351] : memref<256x4608xf32, #tpu.memory_space<vmem>>, vector<256x4608xf32>
      %convert_element_type3A_353 = arith.truncf %get3A_352 : vector<256x4608xf32> to vector<256x4608xbf16>
      %iota3A_354 = tpu.iota {dimensions = array<i32: 0>} : vector<4608x512xi32>
      %iota3A_355 = tpu.iota {dimensions = array<i32: 1>} : vector<4608x512xi32>
      %mul3A_356 = arith.constant 9 : i32
      %mul3A_357 = vector.broadcast %mul3A_356 : i32 to vector<4608x512xi32>
      %mul3A_358 = arith.muli %iota3A_355, %mul3A_357 : vector<4608x512xi32>
      %eq3A_359 = arith.cmpi eq, %iota3A_354, %mul3A_358 : vector<4608x512xi32>
      %convert_element_type3A_360 = arith.extui %eq3A_359 : vector<4608x512xi1> to vector<4608x512xi32>
      %convert_element_type3A_361 = arith.sitofp %convert_element_type3A_360 : vector<4608x512xi32> to vector<4608x512xf32>
      %convert_element_type3A_362 = arith.truncf %convert_element_type3A_361 : vector<4608x512xf32> to vector<4608x512xbf16>
      %dot_general3A_363 = arith.constant dense<0.000000e+00> : vector<256x512xf32>
      %dot_general3A_364 = tpu.matmul %convert_element_type3A_353, %convert_element_type3A_362, %dot_general3A_363 {dimension_numbers = #tpu.dot_dimension_numbers<[1], [0], [0], [1], [0, 0, 1, 1], [], []>, transpose_lhs_hint = false} : vector<256x4608xbf16>, vector<4608x512xbf16>, vector<256x512xf32> -> vector<256x512xf32>
      %convert_element_type3A_365 = arith.truncf %dot_general3A_364 : vector<256x512xf32> to vector<256x512xbf16>
      %swap3A_366 = arith.constant 0 : index
      %swap3A_367 = arith.constant 0 : index
      %swap3A_368 = vector.load %arg17[%swap3A_366, %swap3A_367] : memref<256x4608xbf16, #tpu.memory_space<vmem>>, vector<256x512xbf16>
      tpu.vector_store %arg17[%swap3A_366, %swap3A_367], %convert_element_type3A_365 {strides = array<i32>} : memref<256x4608xbf16, #tpu.memory_space<vmem>>, vector<256x512xbf16>,
      %slice3A_369 = vector.extract_strided_slice %convert_element_type3A_353 {offsets = [0, 1], sizes = [256, 4607], strides = [1, 1]} : vector<256x4608xbf16> to vector<256x4607xbf16>
      %slice3A_370 = vector.extract_strided_slice %convert_element_type3A_353 {offsets = [0, 0], sizes = [256, 1], strides = [1, 1]} : vector<256x4608xbf16> to vector<256x1xbf16>
      %concatenate3A_371 = tpu.concatenate %slice3A_369, %slice3A_370 in 1 : vector<256x4607xbf16>, vector<256x1xbf16> -> vector<256x4608xbf16>
      %dot_general3A_372 = arith.constant dense<0.000000e+00> : vector<256x512xf32>
      %dot_general3A_373 = tpu.matmul %concatenate3A_371, %convert_element_type3A_362, %dot_general3A_372 {dimension_numbers = #tpu.dot_dimension_numbers<[1], [0], [0], [1], [0, 0, 1, 1], [], []>, transpose_lhs_hint = false} : vector<256x4608xbf16>, vector<4608x512xbf16>, vector<256x512xf32> -> vector<256x512xf32>
      %convert_element_type3A_374 = arith.truncf %dot_general3A_373 : vector<256x512xf32> to vector<256x512xbf16>
      %swap3A_375 = arith.constant 0 : index
      %swap3A_376 = arith.constant 512 : index
      %swap3A_377 = vector.load %arg17[%swap3A_375, %swap3A_376] : memref<256x4608xbf16, #tpu.memory_space<vmem>>, vector<256x512xbf16>
      tpu.vector_store %arg17[%swap3A_375, %swap3A_376], %convert_element_type3A_374 {strides = array<i32>} : memref<256x4608xbf16, #tpu.memory_space<vmem>>, vector<256x512xbf16>,
      %slice3A_378 = vector.extract_strided_slice %convert_element_type3A_353 {offsets = [0, 2], sizes = [256, 4606], strides = [1, 1]} : vector<256x4608xbf16> to vector<256x4606xbf16>
      %slice3A_379 = vector.extract_strided_slice %convert_element_type3A_353 {offsets = [0, 0], sizes = [256, 2], strides = [1, 1]} : vector<256x4608xbf16> to vector<256x2xbf16>
      %concatenate3A_380 = tpu.concatenate %slice3A_378, %slice3A_379 in 1 : vector<256x4606xbf16>, vector<256x2xbf16> -> vector<256x4608xbf16>
      %dot_general3A_381 = arith.constant dense<0.000000e+00> : vector<256x512xf32>
      %dot_general3A_382 = tpu.matmul %concatenate3A_380, %convert_element_type3A_362, %dot_general3A_381 {dimension_numbers = #tpu.dot_dimension_numbers<[1], [0], [0], [1], [0, 0, 1, 1], [], []>, transpose_lhs_hint = false} : vector<256x4608xbf16>, vector<4608x512xbf16>, vector<256x512xf32> -> vector<256x512xf32>
      %convert_element_type3A_383 = arith.truncf %dot_general3A_382 : vector<256x512xf32> to vector<256x512xbf16>
      %swap3A_384 = arith.constant 0 : index
      %swap3A_385 = arith.constant 1024 : index
      %swap3A_386 = vector.load %arg17[%swap3A_384, %swap3A_385] : memref<256x4608xbf16, #tpu.memory_space<vmem>>, vector<256x512xbf16>
      tpu.vector_store %arg17[%swap3A_384, %swap3A_385], %convert_element_type3A_383 {strides = array<i32>} : memref<256x4608xbf16, #tpu.memory_space<vmem>>, vector<256x512xbf16>,
      %slice3A_387 = vector.extract_strided_slice %convert_element_type3A_353 {offsets = [0, 3], sizes = [256, 4605], strides = [1, 1]} : vector<256x4608xbf16> to vector<256x4605xbf16>
      %slice3A_388 = vector.extract_strided_slice %convert_element_type3A_353 {offsets = [0, 0], sizes = [256, 3], strides = [1, 1]} : vector<256x4608xbf16> to vector<256x3xbf16>
      %concatenate3A_389 = tpu.concatenate %slice3A_387, %slice3A_388 in 1 : vector<256x4605xbf16>, vector<256x3xbf16> -> vector<256x4608xbf16>
      %dot_general3A_390 = arith.constant dense<0.000000e+00> : vector<256x512xf32>
      %dot_general3A_391 = tpu.matmul %concatenate3A_389, %convert_element_type3A_362, %dot_general3A_390 {dimension_numbers = #tpu.dot_dimension_numbers<[1], [0], [0], [1], [0, 0, 1, 1], [], []>, transpose_lhs_hint = false} : vector<256x4608xbf16>, vector<4608x512xbf16>, vector<256x512xf32> -> vector<256x512xf32>
      %convert_element_type3A_392 = arith.truncf %dot_general3A_391 : vector<256x512xf32> to vector<256x512xbf16>
      %swap3A_393 = arith.constant 0 : index
      %swap3A_394 = arith.constant 1536 : index
      %swap3A_395 = vector.load %arg17[%swap3A_393, %swap3A_394] : memref<256x4608xbf16, #tpu.memory_space<vmem>>, vector<256x512xbf16>
      tpu.vector_store %arg17[%swap3A_393, %swap3A_394], %convert_element_type3A_392 {strides = array<i32>} : memref<256x4608xbf16, #tpu.memory_space<vmem>>, vector<256x512xbf16>,
      %slice3A_396 = vector.extract_strided_slice %convert_element_type3A_353 {offsets = [0, 4], sizes = [256, 4604], strides = [1, 1]} : vector<256x4608xbf16> to vector<256x4604xbf16>
      %slice3A_397 = vector.extract_strided_slice %convert_element_type3A_353 {offsets = [0, 0], sizes = [256, 4], strides = [1, 1]} : vector<256x4608xbf16> to vector<256x4xbf16>
      %concatenate3A_398 = tpu.concatenate %slice3A_396, %slice3A_397 in 1 : vector<256x4604xbf16>, vector<256x4xbf16> -> vector<256x4608xbf16>
      %dot_general3A_399 = arith.constant dense<0.000000e+00> : vector<256x512xf32>
      %dot_general3A_400 = tpu.matmul %concatenate3A_398, %convert_element_type3A_362, %dot_general3A_399 {dimension_numbers = #tpu.dot_dimension_numbers<[1], [0], [0], [1], [0, 0, 1, 1], [], []>, transpose_lhs_hint = false} : vector<256x4608xbf16>, vector<4608x512xbf16>, vector<256x512xf32> -> vector<256x512xf32>
      %convert_element_type3A_401 = arith.truncf %dot_general3A_400 : vector<256x512xf32> to vector<256x512xbf16>
      %swap3A_402 = arith.constant 0 : index
      %swap3A_403 = arith.constant 2048 : index
      %swap3A_404 = vector.load %arg17[%swap3A_402, %swap3A_403] : memref<256x4608xbf16, #tpu.memory_space<vmem>>, vector<256x512xbf16>
      tpu.vector_store %arg17[%swap3A_402, %swap3A_403], %convert_element_type3A_401 {strides = array<i32>} : memref<256x4608xbf16, #tpu.memory_space<vmem>>, vector<256x512xbf16>,
      %slice3A_405 = vector.extract_strided_slice %convert_element_type3A_353 {offsets = [0, 5], sizes = [256, 4603], strides = [1, 1]} : vector<256x4608xbf16> to vector<256x4603xbf16>
      %slice3A_406 = vector.extract_strided_slice %convert_element_type3A_353 {offsets = [0, 0], sizes = [256, 5], strides = [1, 1]} : vector<256x4608xbf16> to vector<256x5xbf16>
      %concatenate3A_407 = tpu.concatenate %slice3A_405, %slice3A_406 in 1 : vector<256x4603xbf16>, vector<256x5xbf16> -> vector<256x4608xbf16>
      %dot_general3A_408 = arith.constant dense<0.000000e+00> : vector<256x512xf32>
      %dot_general3A_409 = tpu.matmul %concatenate3A_407, %convert_element_type3A_362, %dot_general3A_408 {dimension_numbers = #tpu.dot_dimension_numbers<[1], [0], [0], [1], [0, 0, 1, 1], [], []>, transpose_lhs_hint = false} : vector<256x4608xbf16>, vector<4608x512xbf16>, vector<256x512xf32> -> vector<256x512xf32>
      %convert_element_type3A_410 = arith.truncf %dot_general3A_409 : vector<256x512xf32> to vector<256x512xbf16>
      %swap3A_411 = arith.constant 0 : index
      %swap3A_412 = arith.constant 2560 : index
      %swap3A_413 = vector.load %arg17[%swap3A_411, %swap3A_412] : memref<256x4608xbf16, #tpu.memory_space<vmem>>, vector<256x512xbf16>
      tpu.vector_store %arg17[%swap3A_411, %swap3A_412], %convert_element_type3A_410 {strides = array<i32>} : memref<256x4608xbf16, #tpu.memory_space<vmem>>, vector<256x512xbf16>,
      %slice3A_414 = vector.extract_strided_slice %convert_element_type3A_353 {offsets = [0, 6], sizes = [256, 4602], strides = [1, 1]} : vector<256x4608xbf16> to vector<256x4602xbf16>
      %slice3A_415 = vector.extract_strided_slice %convert_element_type3A_353 {offsets = [0, 0], sizes = [256, 6], strides = [1, 1]} : vector<256x4608xbf16> to vector<256x6xbf16>
      %concatenate3A_416 = tpu.concatenate %slice3A_414, %slice3A_415 in 1 : vector<256x4602xbf16>, vector<256x6xbf16> -> vector<256x4608xbf16>
      %dot_general3A_417 = arith.constant dense<0.000000e+00> : vector<256x512xf32>
      %dot_general3A_418 = tpu.matmul %concatenate3A_416, %convert_element_type3A_362, %dot_general3A_417 {dimension_numbers = #tpu.dot_dimension_numbers<[1], [0], [0], [1], [0, 0, 1, 1], [], []>, transpose_lhs_hint = false} : vector<256x4608xbf16>, vector<4608x512xbf16>, vector<256x512xf32> -> vector<256x512xf32>
      %convert_element_type3A_419 = arith.truncf %dot_general3A_418 : vector<256x512xf32> to vector<256x512xbf16>
      %swap3A_420 = arith.constant 0 : index
      %swap3A_421 = arith.constant 3072 : index
      %swap3A_422 = vector.load %arg17[%swap3A_420, %swap3A_421] : memref<256x4608xbf16, #tpu.memory_space<vmem>>, vector<256x512xbf16>
      tpu.vector_store %arg17[%swap3A_420, %swap3A_421], %convert_element_type3A_419 {strides = array<i32>} : memref<256x4608xbf16, #tpu.memory_space<vmem>>, vector<256x512xbf16>,
      %slice3A_423 = vector.extract_strided_slice %convert_element_type3A_353 {offsets = [0, 7], sizes = [256, 4601], strides = [1, 1]} : vector<256x4608xbf16> to vector<256x4601xbf16>
      %slice3A_424 = vector.extract_strided_slice %convert_element_type3A_353 {offsets = [0, 0], sizes = [256, 7], strides = [1, 1]} : vector<256x4608xbf16> to vector<256x7xbf16>
      %concatenate3A_425 = tpu.concatenate %slice3A_423, %slice3A_424 in 1 : vector<256x4601xbf16>, vector<256x7xbf16> -> vector<256x4608xbf16>
      %dot_general3A_426 = arith.constant dense<0.000000e+00> : vector<256x512xf32>
      %dot_general3A_427 = tpu.matmul %concatenate3A_425, %convert_element_type3A_362, %dot_general3A_426 {dimension_numbers = #tpu.dot_dimension_numbers<[1], [0], [0], [1], [0, 0, 1, 1], [], []>, transpose_lhs_hint = false} : vector<256x4608xbf16>, vector<4608x512xbf16>, vector<256x512xf32> -> vector<256x512xf32>
      %convert_element_type3A_428 = arith.truncf %dot_general3A_427 : vector<256x512xf32> to vector<256x512xbf16>
      %swap3A_429 = arith.constant 0 : index
      %swap3A_430 = arith.constant 3584 : index
      %swap3A_431 = vector.load %arg17[%swap3A_429, %swap3A_430] : memref<256x4608xbf16, #tpu.memory_space<vmem>>, vector<256x512xbf16>
      tpu.vector_store %arg17[%swap3A_429, %swap3A_430], %convert_element_type3A_428 {strides = array<i32>} : memref<256x4608xbf16, #tpu.memory_space<vmem>>, vector<256x512xbf16>,
      %slice3A_432 = vector.extract_strided_slice %convert_element_type3A_353 {offsets = [0, 8], sizes = [256, 4600], strides = [1, 1]} : vector<256x4608xbf16> to vector<256x4600xbf16>
      %slice3A_433 = vector.extract_strided_slice %convert_element_type3A_353 {offsets = [0, 0], sizes = [256, 8], strides = [1, 1]} : vector<256x4608xbf16> to vector<256x8xbf16>
      %concatenate3A_434 = tpu.concatenate %slice3A_432, %slice3A_433 in 1 : vector<256x4600xbf16>, vector<256x8xbf16> -> vector<256x4608xbf16>
      %dot_general3A_435 = arith.constant dense<0.000000e+00> : vector<256x512xf32>
      %dot_general3A_436 = tpu.matmul %concatenate3A_434, %convert_element_type3A_362, %dot_general3A_435 {dimension_numbers = #tpu.dot_dimension_numbers<[1], [0], [0], [1], [0, 0, 1, 1], [], []>, transpose_lhs_hint = false} : vector<256x4608xbf16>, vector<4608x512xbf16>, vector<256x512xf32> -> vector<256x512xf32>
      %convert_element_type3A_437 = arith.truncf %dot_general3A_436 : vector<256x512xf32> to vector<256x512xbf16>
      %swap3A_438 = arith.constant 0 : index
      %swap3A_439 = arith.constant 4096 : index
      %swap3A_440 = vector.load %arg17[%swap3A_438, %swap3A_439] : memref<256x4608xbf16, #tpu.memory_space<vmem>>, vector<256x512xbf16>
      tpu.vector_store %arg17[%swap3A_438, %swap3A_439], %convert_element_type3A_437 {strides = array<i32>} : memref<256x4608xbf16, #tpu.memory_space<vmem>>, vector<256x512xbf16>,
    } else {
    }
    %eq3A_4 = arith.constant 0 : i32
    %eq3A_5 = arith.cmpi eq, %arg1, %eq3A_4 : i32
    %convert_element_type3A_6 = arith.extui %eq3A_5 : i1 to i32
    %cond3A_7 = arith.constant 0 : i32
    %cond3A_8 = arith.cmpi ne, %convert_element_type3A_6, %cond3A_7 : i32
    scf.if %cond3A_8 {
      %broadcast_in_dim3A_259 = arith.constant 0.000000e+00 : f32
      %broadcast_in_dim3A_260 = vector.broadcast %broadcast_in_dim3A_259 : f32 to vector<256x1024xf32>
      %swap3A_261 = arith.constant 0 : index
      %swap3A_262 = arith.constant 0 : index
      %swap3A_263 = vector.load %arg14[%swap3A_261, %swap3A_262] : memref<256x1024xf32, #tpu.memory_space<vmem>>, vector<256x1024xf32>
      tpu.vector_store %arg14[%swap3A_261, %swap3A_262], %broadcast_in_dim3A_260 {strides = array<i32>} : memref<256x1024xf32, #tpu.memory_space<vmem>>, vector<256x1024xf32>,
      %broadcast_in_dim3A_264 = arith.constant 0.000000e+00 : bf16
      %broadcast_in_dim3A_265 = vector.broadcast %broadcast_in_dim3A_264 : bf16 to vector<512x1024xbf16>
      %swap3A_266 = arith.constant 0 : index
      %swap3A_267 = arith.constant 0 : index
      %swap3A_268 = vector.load %arg15[%swap3A_266, %swap3A_267] : memref<512x1024xbf16, #tpu.memory_space<vmem>>, vector<512x1024xbf16>
      tpu.vector_store %arg15[%swap3A_266, %swap3A_267], %broadcast_in_dim3A_265 {strides = array<i32>} : memref<512x1024xbf16, #tpu.memory_space<vmem>>, vector<512x1024xbf16>,
    } else {
    }
    %get3A = arith.constant 0 : index
    %get3A_9 = arith.constant 0 : index
    %get3A_10 = arith.constant 0 : index
    %get3A_11 = arith.constant 0 : index
    %get3A_12 = vector.load %arg2[%get3A, %get3A_9, %get3A_10, %get3A_11] : memref<1x3x256x1024xf32, #tpu.memory_space<vmem>>, vector<1x3x256x1024xf32>
    %get3A_13 = vector.shape_cast %get3A_12 : vector<1x3x256x1024xf32> to vector<3x256x1024xf32>
    %reshape3A = vector.shape_cast %get3A_13 : vector<3x256x1024xf32> to vector<768x1024xf32>
    %convert_element_type3A_14 = arith.truncf %reshape3A : vector<768x1024xf32> to vector<768x1024xbf16>
    %get3A_15 = arith.constant 0 : index
    %get3A_16 = arith.constant 0 : index
    %get3A_17 = vector.load %arg3[%get3A_15, %get3A_16] : memref<3x768xf32, #tpu.memory_space<vmem>>, vector<3x768xf32>
    %convert_element_type3A_18 = arith.truncf %get3A_17 : vector<3x768xf32> to vector<3x768xbf16>
    %dot_general3A = arith.constant dense<0.000000e+00> : vector<3x1024xf32>
    %dot_general3A_19 = tpu.matmul %convert_element_type3A_18, %convert_element_type3A_14, %dot_general3A {dimension_numbers = #tpu.dot_dimension_numbers<[1], [0], [0], [1], [0, 0, 1, 1], [], []>, transpose_lhs_hint = false} : vector<3x768xbf16>, vector<768x1024xbf16>, vector<3x1024xf32> -> vector<3x1024xf32>
    %get3A_20 = arith.constant 0 : index
    %get3A_21 = arith.constant 0 : index
    %get3A_22 = vector.load %arg4[%get3A_20, %get3A_21] : memref<3x1xf32, #tpu.memory_space<vmem>>, vector<3x1xf32>
    %add3A = vector.broadcast %get3A_22 : vector<3x1xf32> to vector<3x1024xf32>
    %add3A_23 = arith.addf %dot_general3A_19, %add3A : vector<3x1024xf32>
    %reduce_max3A = arith.constant dense<0xFF800000> : vector<1024xf32>
    %reduce_max3A_24 = vector.multi_reduction <maximumf>, %add3A_23, %reduce_max3A [0] : vector<3x1024xf32> to vector<1024xf32>
    %broadcast_in_dim3A = vector.shape_cast %reduce_max3A_24 : vector<1024xf32> to vector<1x1024xf32>
    %sub3A = vector.broadcast %broadcast_in_dim3A : vector<1x1024xf32> to vector<3x1024xf32>
    %sub3A_25 = arith.subf %add3A_23, %sub3A : vector<3x1024xf32>
    %exp3A = math.exp %sub3A_25 : vector<3x1024xf32>
    %reduce_sum3A = arith.constant dense<0.000000e+00> : vector<1024xf32>
    %reduce_sum3A_26 = vector.multi_reduction <add>, %exp3A, %reduce_sum3A [0] : vector<3x1024xf32> to vector<1024xf32>
    %broadcast_in_dim3A_27 = vector.shape_cast %reduce_sum3A_26 : vector<1024xf32> to vector<1x1024xf32>
    %div3A = vector.broadcast %broadcast_in_dim3A_27 : vector<1x1024xf32> to vector<3x1024xf32>
    %div3A_28 = arith.divf %exp3A, %div3A : vector<3x1024xf32>
    %slice3A = vector.extract_strided_slice %div3A_28 {offsets = [0, 0], sizes = [1, 1024], strides = [1, 1]} : vector<3x1024xf32> to vector<1x1024xf32>
    %slice3A_29 = vector.extract_strided_slice %get3A_13 {offsets = [0, 0, 0], sizes = [1, 256, 1024], strides = [1, 1, 1]} : vector<3x256x1024xf32> to vector<1x256x1024xf32>
    %squeeze3A = vector.shape_cast %slice3A_29 : vector<1x256x1024xf32> to vector<256x1024xf32>
    %mul3A = vector.broadcast %slice3A : vector<1x1024xf32> to vector<256x1024xf32>
    %mul3A_30 = arith.mulf %mul3A, %squeeze3A : vector<256x1024xf32>
    %slice3A_31 = vector.extract_strided_slice %div3A_28 {offsets = [1, 0], sizes = [1, 1024], strides = [1, 1]} : vector<3x1024xf32> to vector<1x1024xf32>
    %slice3A_32 = vector.extract_strided_slice %get3A_13 {offsets = [1, 0, 0], sizes = [1, 256, 1024], strides = [1, 1, 1]} : vector<3x256x1024xf32> to vector<1x256x1024xf32>
    %squeeze3A_33 = vector.shape_cast %slice3A_32 : vector<1x256x1024xf32> to vector<256x1024xf32>
    %mul3A_34 = vector.broadcast %slice3A_31 : vector<1x1024xf32> to vector<256x1024xf32>
    %mul3A_35 = arith.mulf %mul3A_34, %squeeze3A_33 : vector<256x1024xf32>
    %add3A_36 = arith.addf %mul3A_30, %mul3A_35 : vector<256x1024xf32>
    %slice3A_37 = vector.extract_strided_slice %div3A_28 {offsets = [2, 0], sizes = [1, 1024], strides = [1, 1]} : vector<3x1024xf32> to vector<1x1024xf32>
    %slice3A_38 = vector.extract_strided_slice %get3A_13 {offsets = [2, 0, 0], sizes = [1, 256, 1024], strides = [1, 1, 1]} : vector<3x256x1024xf32> to vector<1x256x1024xf32>
    %squeeze3A_39 = vector.shape_cast %slice3A_38 : vector<1x256x1024xf32> to vector<256x1024xf32>
    %mul3A_40 = vector.broadcast %slice3A_37 : vector<1x1024xf32> to vector<256x1024xf32>
    %mul3A_41 = arith.mulf %mul3A_40, %squeeze3A_39 : vector<256x1024xf32>
    %add3A_42 = arith.addf %add3A_36, %mul3A_41 : vector<256x1024xf32>
    %lt3A = arith.constant 16 : i32
    %lt3A_43 = arith.cmpi slt, %arg1, %lt3A : i32
    %jit3A = arith.constant 0.000000e+00 : f32
    %broadcast_in_dim3A_44 = vector.broadcast %jit3A : f32 to vector<256x1024xf32>
    %select_n3A = arith.select %lt3A_43, %add3A_42, %broadcast_in_dim3A_44 : vector<256x1024xf32>
    %get3A_45 = arith.constant 0 : index
    %get3A_46 = arith.constant 768 : index
    %get3A_47 = vector.load %arg14[%get3A_45, %get3A_46] : memref<256x1024xf32, #tpu.memory_space<vmem>>, vector<256x256xf32>
    %convert_element_type3A_48 = arith.truncf %get3A_47 : vector<256x256xf32> to vector<256x256xbf16>
    %convert_element_type3A_49 = arith.truncf %select_n3A : vector<256x1024xf32> to vector<256x1024xbf16>
    %concatenate3A = tpu.concatenate %convert_element_type3A_48, %convert_element_type3A_49 in 1 : vector<256x256xbf16>, vector<256x1024xbf16> -> vector<256x1280xbf16>
    %slice3A_50 = vector.extract_strided_slice %concatenate3A {offsets = [0, 1279], sizes = [256, 1], strides = [1, 1]} : vector<256x1280xbf16> to vector<256x1xbf16>
    %slice3A_51 = vector.extract_strided_slice %concatenate3A {offsets = [0, 0], sizes = [256, 1279], strides = [1, 1]} : vector<256x1280xbf16> to vector<256x1279xbf16>
    %concatenate3A_52 = tpu.concatenate %slice3A_50, %slice3A_51 in 1 : vector<256x1xbf16>, vector<256x1279xbf16> -> vector<256x1280xbf16>
    %iota3A = tpu.iota {dimensions = array<i32: 1>} : vector<1x1280xi32>
    %jit3A_53 = arith.constant 128 : i32
    %eq3A_54 = arith.constant 0 : i32
    %eq3A_55 = arith.cmpi eq, %jit3A_53, %eq3A_54 : i32
    %jit3A_56 = arith.constant 1 : i32
    %select_n3A_57 = arith.select %eq3A_55, %jit3A_56, %jit3A_53 : i32
    %rem3A = vector.broadcast %select_n3A_57 : i32 to vector<1x1280xi32>
    %rem3A_58 = arith.remsi %iota3A, %rem3A : vector<1x1280xi32>
    %ne3A = arith.constant 0 : i32
    %ne3A_59 = vector.broadcast %ne3A : i32 to vector<1x1280xi32>
    %ne3A_60 = arith.cmpi ne, %rem3A_58, %ne3A_59 : vector<1x1280xi32>
    %lt3A_61 = arith.constant 0 : i32
    %lt3A_62 = vector.broadcast %lt3A_61 : i32 to vector<1x1280xi32>
    %lt3A_63 = arith.cmpi slt, %rem3A_58, %lt3A_62 : vector<1x1280xi32>
    %lt3A_64 = arith.constant 0 : i32
    %lt3A_65 = arith.cmpi slt, %select_n3A_57, %lt3A_64 : i32
    %ne3A_66 = vector.broadcast %lt3A_65 : i1 to vector<1x1280xi1>
    %ne3A_67 = vector.broadcast %ne3A_66 : vector<1x1280xi1> to vector<1x1280xi1>
    %ne3A_68 = arith.xori %lt3A_63, %ne3A_67 : vector<1x1280xi1>
    %and3A_69 = arith.andi %ne3A_68, %ne3A_60 : vector<1x1280xi1>
    %add3A_70 = vector.broadcast %select_n3A_57 : i32 to vector<1x1280xi32>
    %add3A_71 = arith.addi %rem3A_58, %add3A_70 : vector<1x1280xi32>
    %select_n3A_72 = arith.select %and3A_69, %add3A_71, %rem3A_58 : vector<1x1280xi1>, vector<1x1280xi32>
    %eq3A_73 = arith.constant 0 : i32
    %eq3A_74 = vector.broadcast %eq3A_73 : i32 to vector<1x1280xi32>
    %eq3A_75 = arith.cmpi eq, %select_n3A_72, %eq3A_74 : vector<1x1280xi32>
    %jit3A_76 = arith.constant 0.000000e+00 : bf16
    %broadcast_in_dim3A_77 = vector.shape_cast %eq3A_75 : vector<1x1280xi1> to vector<1x1280xi1>
    %broadcast_in_dim3A_78 = vector.broadcast %broadcast_in_dim3A_77 : vector<1x1280xi1> to vector<256x1280xi1>
    %broadcast_in_dim3A_79 = vector.broadcast %jit3A_76 : bf16 to vector<256x1280xbf16>
    %select_n3A_80 = arith.select %broadcast_in_dim3A_78, %broadcast_in_dim3A_79, %concatenate3A_52 : vector<256x1280xi1>, vector<256x1280xbf16>
    %slice3A_81 = vector.extract_strided_slice %concatenate3A {offsets = [0, 1], sizes = [256, 1279], strides = [1, 1]} : vector<256x1280xbf16> to vector<256x1279xbf16>
    %slice3A_82 = vector.extract_strided_slice %concatenate3A {offsets = [0, 0], sizes = [256, 1], strides = [1, 1]} : vector<256x1280xbf16> to vector<256x1xbf16>
    %concatenate3A_83 = tpu.concatenate %slice3A_81, %slice3A_82 in 1 : vector<256x1279xbf16>, vector<256x1xbf16> -> vector<256x1280xbf16>
    %iota3A_84 = tpu.iota {dimensions = array<i32: 1>} : vector<1x1280xi32>
    %jit3A_85 = arith.constant 128 : i32
    %eq3A_86 = arith.constant 0 : i32
    %eq3A_87 = arith.cmpi eq, %jit3A_85, %eq3A_86 : i32
    %jit3A_88 = arith.constant 1 : i32
    %select_n3A_89 = arith.select %eq3A_87, %jit3A_88, %jit3A_85 : i32
    %rem3A_90 = vector.broadcast %select_n3A_89 : i32 to vector<1x1280xi32>
    %rem3A_91 = arith.remsi %iota3A_84, %rem3A_90 : vector<1x1280xi32>
    %ne3A_92 = arith.constant 0 : i32
    %ne3A_93 = vector.broadcast %ne3A_92 : i32 to vector<1x1280xi32>
    %ne3A_94 = arith.cmpi ne, %rem3A_91, %ne3A_93 : vector<1x1280xi32>
    %lt3A_95 = arith.constant 0 : i32
    %lt3A_96 = vector.broadcast %lt3A_95 : i32 to vector<1x1280xi32>
    %lt3A_97 = arith.cmpi slt, %rem3A_91, %lt3A_96 : vector<1x1280xi32>
    %lt3A_98 = arith.constant 0 : i32
    %lt3A_99 = arith.cmpi slt, %select_n3A_89, %lt3A_98 : i32
    %ne3A_100 = vector.broadcast %lt3A_99 : i1 to vector<1x1280xi1>
    %ne3A_101 = vector.broadcast %ne3A_100 : vector<1x1280xi1> to vector<1x1280xi1>
    %ne3A_102 = arith.xori %lt3A_97, %ne3A_101 : vector<1x1280xi1>
    %and3A_103 = arith.andi %ne3A_102, %ne3A_94 : vector<1x1280xi1>
    %add3A_104 = vector.broadcast %select_n3A_89 : i32 to vector<1x1280xi32>
    %add3A_105 = arith.addi %rem3A_91, %add3A_104 : vector<1x1280xi32>
    %select_n3A_106 = arith.select %and3A_103, %add3A_105, %rem3A_91 : vector<1x1280xi1>, vector<1x1280xi32>
    %eq3A_107 = arith.constant 127 : i32
    %eq3A_108 = vector.broadcast %eq3A_107 : i32 to vector<1x1280xi32>
    %eq3A_109 = arith.cmpi eq, %select_n3A_106, %eq3A_108 : vector<1x1280xi32>
    %jit3A_110 = arith.constant 0.000000e+00 : bf16
    %broadcast_in_dim3A_111 = vector.shape_cast %eq3A_109 : vector<1x1280xi1> to vector<1x1280xi1>
    %broadcast_in_dim3A_112 = vector.broadcast %broadcast_in_dim3A_111 : vector<1x1280xi1> to vector<256x1280xi1>
    %broadcast_in_dim3A_113 = vector.broadcast %jit3A_110 : bf16 to vector<256x1280xbf16>
    %select_n3A_114 = arith.select %broadcast_in_dim3A_112, %broadcast_in_dim3A_113, %concatenate3A_83 : vector<256x1280xi1>, vector<256x1280xbf16>
    %broadcast_in_dim3A_115 = arith.constant 0.000000e+00 : f32
    %broadcast_in_dim3A_116 = vector.broadcast %broadcast_in_dim3A_115 : f32 to vector<512x1024xf32>
    %get3A_117 = arith.constant 0 : index
    %get3A_118 = arith.constant 0 : index
    %get3A_119 = vector.load %arg16[%get3A_117, %get3A_118] : memref<512x2304xbf16, #tpu.memory_space<vmem>>, vector<512x256xbf16>
    %slice3A_120 = vector.extract_strided_slice %select_n3A_80 {offsets = [0, 0], sizes = [256, 1024], strides = [1, 1]} : vector<256x1280xbf16> to vector<256x1024xbf16>
    %dot_general3A_121 = arith.constant dense<0.000000e+00> : vector<512x1024xf32>
    %dot_general3A_122 = tpu.matmul %get3A_119, %slice3A_120, %dot_general3A_121 {dimension_numbers = #tpu.dot_dimension_numbers<[1], [0], [0], [1], [0, 0, 1, 1], [], []>, transpose_lhs_hint = false} : vector<512x256xbf16>, vector<256x1024xbf16>, vector<512x1024xf32> -> vector<512x1024xf32>
    %add3A_123 = arith.addf %broadcast_in_dim3A_116, %dot_general3A_122 : vector<512x1024xf32>
    %get3A_124 = arith.constant 0 : index
    %get3A_125 = arith.constant 256 : index
    %get3A_126 = vector.load %arg16[%get3A_124, %get3A_125] : memref<512x2304xbf16, #tpu.memory_space<vmem>>, vector<512x256xbf16>
    %slice3A_127 = vector.extract_strided_slice %concatenate3A {offsets = [0, 0], sizes = [256, 1024], strides = [1, 1]} : vector<256x1280xbf16> to vector<256x1024xbf16>
    %dot_general3A_128 = arith.constant dense<0.000000e+00> : vector<512x1024xf32>
    %dot_general3A_129 = tpu.matmul %get3A_126, %slice3A_127, %dot_general3A_128 {dimension_numbers = #tpu.dot_dimension_numbers<[1], [0], [0], [1], [0, 0, 1, 1], [], []>, transpose_lhs_hint = false} : vector<512x256xbf16>, vector<256x1024xbf16>, vector<512x1024xf32> -> vector<512x1024xf32>
    %add3A_130 = arith.addf %add3A_123, %dot_general3A_129 : vector<512x1024xf32>
    %get3A_131 = arith.constant 0 : index
    %get3A_132 = arith.constant 512 : index
    %get3A_133 = vector.load %arg16[%get3A_131, %get3A_132] : memref<512x2304xbf16, #tpu.memory_space<vmem>>, vector<512x256xbf16>
    %slice3A_134 = vector.extract_strided_slice %select_n3A_114 {offsets = [0, 0], sizes = [256, 1024], strides = [1, 1]} : vector<256x1280xbf16> to vector<256x1024xbf16>
    %dot_general3A_135 = arith.constant dense<0.000000e+00> : vector<512x1024xf32>
    %dot_general3A_136 = tpu.matmul %get3A_133, %slice3A_134, %dot_general3A_135 {dimension_numbers = #tpu.dot_dimension_numbers<[1], [0], [0], [1], [0, 0, 1, 1], [], []>, transpose_lhs_hint = false} : vector<512x256xbf16>, vector<256x1024xbf16>, vector<512x1024xf32> -> vector<512x1024xf32>
    %add3A_137 = arith.addf %add3A_130, %dot_general3A_136 : vector<512x1024xf32>
    %get3A_138 = arith.constant 0 : index
    %get3A_139 = arith.constant 768 : index
    %get3A_140 = vector.load %arg16[%get3A_138, %get3A_139] : memref<512x2304xbf16, #tpu.memory_space<vmem>>, vector<512x256xbf16>
    %slice3A_141 = vector.extract_strided_slice %select_n3A_80 {offsets = [0, 128], sizes = [256, 1024], strides = [1, 1]} : vector<256x1280xbf16> to vector<256x1024xbf16>
    %dot_general3A_142 = arith.constant dense<0.000000e+00> : vector<512x1024xf32>
    %dot_general3A_143 = tpu.matmul %get3A_140, %slice3A_141, %dot_general3A_142 {dimension_numbers = #tpu.dot_dimension_numbers<[1], [0], [0], [1], [0, 0, 1, 1], [], []>, transpose_lhs_hint = false} : vector<512x256xbf16>, vector<256x1024xbf16>, vector<512x1024xf32> -> vector<512x1024xf32>
    %add3A_144 = arith.addf %add3A_137, %dot_general3A_143 : vector<512x1024xf32>
    %get3A_145 = arith.constant 0 : index
    %get3A_146 = arith.constant 1024 : index
    %get3A_147 = vector.load %arg16[%get3A_145, %get3A_146] : memref<512x2304xbf16, #tpu.memory_space<vmem>>, vector<512x256xbf16>
    %slice3A_148 = vector.extract_strided_slice %concatenate3A {offsets = [0, 128], sizes = [256, 1024], strides = [1, 1]} : vector<256x1280xbf16> to vector<256x1024xbf16>
    %dot_general3A_149 = arith.constant dense<0.000000e+00> : vector<512x1024xf32>
    %dot_general3A_150 = tpu.matmul %get3A_147, %slice3A_148, %dot_general3A_149 {dimension_numbers = #tpu.dot_dimension_numbers<[1], [0], [0], [1], [0, 0, 1, 1], [], []>, transpose_lhs_hint = false} : vector<512x256xbf16>, vector<256x1024xbf16>, vector<512x1024xf32> -> vector<512x1024xf32>
    %add3A_151 = arith.addf %add3A_144, %dot_general3A_150 : vector<512x1024xf32>
    %get3A_152 = arith.constant 0 : index
    %get3A_153 = arith.constant 1280 : index
    %get3A_154 = vector.load %arg16[%get3A_152, %get3A_153] : memref<512x2304xbf16, #tpu.memory_space<vmem>>, vector<512x256xbf16>
    %slice3A_155 = vector.extract_strided_slice %select_n3A_114 {offsets = [0, 128], sizes = [256, 1024], strides = [1, 1]} : vector<256x1280xbf16> to vector<256x1024xbf16>
    %dot_general3A_156 = arith.constant dense<0.000000e+00> : vector<512x1024xf32>
    %dot_general3A_157 = tpu.matmul %get3A_154, %slice3A_155, %dot_general3A_156 {dimension_numbers = #tpu.dot_dimension_numbers<[1], [0], [0], [1], [0, 0, 1, 1], [], []>, transpose_lhs_hint = false} : vector<512x256xbf16>, vector<256x1024xbf16>, vector<512x1024xf32> -> vector<512x1024xf32>
    %add3A_158 = arith.addf %add3A_151, %dot_general3A_157 : vector<512x1024xf32>
    %get3A_159 = arith.constant 0 : index
    %get3A_160 = arith.constant 1536 : index
    %get3A_161 = vector.load %arg16[%get3A_159, %get3A_160] : memref<512x2304xbf16, #tpu.memory_space<vmem>>, vector<512x256xbf16>
    %slice3A_162 = vector.extract_strided_slice %select_n3A_80 {offsets = [0, 256], sizes = [256, 1024], strides = [1, 1]} : vector<256x1280xbf16> to vector<256x1024xbf16>
    %dot_general3A_163 = arith.constant dense<0.000000e+00> : vector<512x1024xf32>
    %dot_general3A_164 = tpu.matmul %get3A_161, %slice3A_162, %dot_general3A_163 {dimension_numbers = #tpu.dot_dimension_numbers<[1], [0], [0], [1], [0, 0, 1, 1], [], []>, transpose_lhs_hint = false} : vector<512x256xbf16>, vector<256x1024xbf16>, vector<512x1024xf32> -> vector<512x1024xf32>
    %add3A_165 = arith.addf %add3A_158, %dot_general3A_164 : vector<512x1024xf32>
    %get3A_166 = arith.constant 0 : index
    %get3A_167 = arith.constant 1792 : index
    %get3A_168 = vector.load %arg16[%get3A_166, %get3A_167] : memref<512x2304xbf16, #tpu.memory_space<vmem>>, vector<512x256xbf16>
    %slice3A_169 = vector.extract_strided_slice %concatenate3A {offsets = [0, 256], sizes = [256, 1024], strides = [1, 1]} : vector<256x1280xbf16> to vector<256x1024xbf16>
    %dot_general3A_170 = arith.constant dense<0.000000e+00> : vector<512x1024xf32>
    %dot_general3A_171 = tpu.matmul %get3A_168, %slice3A_169, %dot_general3A_170 {dimension_numbers = #tpu.dot_dimension_numbers<[1], [0], [0], [1], [0, 0, 1, 1], [], []>, transpose_lhs_hint = false} : vector<512x256xbf16>, vector<256x1024xbf16>, vector<512x1024xf32> -> vector<512x1024xf32>
    %add3A_172 = arith.addf %add3A_165, %dot_general3A_171 : vector<512x1024xf32>
    %get3A_173 = arith.constant 0 : index
    %get3A_174 = arith.constant 2048 : index
    %get3A_175 = vector.load %arg16[%get3A_173, %get3A_174] : memref<512x2304xbf16, #tpu.memory_space<vmem>>, vector<512x256xbf16>
    %slice3A_176 = vector.extract_strided_slice %select_n3A_114 {offsets = [0, 256], sizes = [256, 1024], strides = [1, 1]} : vector<256x1280xbf16> to vector<256x1024xbf16>
    %dot_general3A_177 = arith.constant dense<0.000000e+00> : vector<512x1024xf32>
    %dot_general3A_178 = tpu.matmul %get3A_175, %slice3A_176, %dot_general3A_177 {dimension_numbers = #tpu.dot_dimension_numbers<[1], [0], [0], [1], [0, 0, 1, 1], [], []>, transpose_lhs_hint = false} : vector<512x256xbf16>, vector<256x1024xbf16>, vector<512x1024xf32> -> vector<512x1024xf32>
    %add3A_179 = arith.addf %add3A_172, %dot_general3A_178 : vector<512x1024xf32>
    %get3A_180 = arith.constant 0 : index
    %get3A_181 = arith.constant 0 : index
    %get3A_182 = vector.load %arg6[%get3A_180, %get3A_181] : memref<512x1xf32, #tpu.memory_space<vmem>>, vector<512x1xf32>
    %mul3A_183 = vector.broadcast %get3A_182 : vector<512x1xf32> to vector<512x1024xf32>
    %mul3A_184 = arith.mulf %add3A_179, %mul3A_183 : vector<512x1024xf32>
    %get3A_185 = arith.constant 0 : index
    %get3A_186 = arith.constant 0 : index
    %get3A_187 = vector.load %arg7[%get3A_185, %get3A_186] : memref<512x1xf32, #tpu.memory_space<vmem>>, vector<512x1xf32>
    %add3A_188 = vector.broadcast %get3A_187 : vector<512x1xf32> to vector<512x1024xf32>
    %add3A_189 = arith.addf %mul3A_184, %add3A_188 : vector<512x1024xf32>
    %mul3A_190 = arith.constant 5.000000e-01 : f32
    %mul3A_191 = vector.broadcast %mul3A_190 : f32 to vector<512x1024xf32>
    %mul3A_192 = arith.mulf %mul3A_191, %add3A_189 : vector<512x1024xf32>
    %mul3A_193 = arith.constant 0.707106769 : f32
    %mul3A_194 = vector.broadcast %mul3A_193 : f32 to vector<512x1024xf32>
    %mul3A_195 = arith.mulf %add3A_189, %mul3A_194 : vector<512x1024xf32>
    %erf3A = math.erf %mul3A_195 : vector<512x1024xf32>
    %add3A_196 = arith.constant 1.000000e+00 : f32
    %add3A_197 = vector.broadcast %add3A_196 : f32 to vector<512x1024xf32>
    %add3A_198 = arith.addf %add3A_197, %erf3A : vector<512x1024xf32>
    %mul3A_199 = arith.mulf %mul3A_192, %add3A_198 : vector<512x1024xf32>
    %iota3A_200 = tpu.iota {dimensions = array<i32: 1>} : vector<1x1024xi32>
    %jit3A_201 = arith.constant 128 : i32
    %div3A_202 = vector.broadcast %jit3A_201 : i32 to vector<1x1024xi32>
    %div3A_203 = arith.divsi %iota3A_200, %div3A_202 : vector<1x1024xi32>
    %sign3A = arith.constant 0 : i32
    %sign3A_204 = vector.broadcast %sign3A : i32 to vector<1x1024xi32>
    %sign3A_205 = arith.cmpi sgt, %iota3A_200, %sign3A_204 : vector<1x1024xi32>
    %sign3A_206 = arith.extui %sign3A_205 : vector<1x1024xi1> to vector<1x1024xi32>
    %sign3A_207 = arith.constant 0 : i32
    %sign3A_208 = vector.broadcast %sign3A_207 : i32 to vector<1x1024xi32>
    %sign3A_209 = arith.cmpi slt, %iota3A_200, %sign3A_208 : vector<1x1024xi32>
    %sign3A_210 = arith.extui %sign3A_209 : vector<1x1024xi1> to vector<1x1024xi32>
    %sign3A_211 = arith.subi %sign3A_206, %sign3A_210 : vector<1x1024xi32>
    %sign3A_212 = arith.constant 0 : i32
    %sign3A_213 = arith.cmpi sgt, %jit3A_201, %sign3A_212 : i32
    %sign3A_214 = arith.extui %sign3A_213 : i1 to i32
    %sign3A_215 = arith.constant 0 : i32
    %sign3A_216 = arith.cmpi slt, %jit3A_201, %sign3A_215 : i32
    %sign3A_217 = arith.extui %sign3A_216 : i1 to i32
    %sign3A_218 = arith.subi %sign3A_214, %sign3A_217 : i32
    %ne3A_219 = vector.broadcast %sign3A_218 : i32 to vector<1x1024xi32>
    %ne3A_220 = arith.cmpi ne, %sign3A_211, %ne3A_219 : vector<1x1024xi32>
    %rem3A_221 = vector.broadcast %jit3A_201 : i32 to vector<1x1024xi32>
    %rem3A_222 = arith.remsi %iota3A_200, %rem3A_221 : vector<1x1024xi32>
    %ne3A_223 = arith.constant 0 : i32
    %ne3A_224 = vector.broadcast %ne3A_223 : i32 to vector<1x1024xi32>
    %ne3A_225 = arith.cmpi ne, %rem3A_222, %ne3A_224 : vector<1x1024xi32>
    %and3A_226 = arith.andi %ne3A_220, %ne3A_225 : vector<1x1024xi1>
    %sub3A_227 = arith.constant 1 : i32
    %sub3A_228 = vector.broadcast %sub3A_227 : i32 to vector<1x1024xi32>
    %sub3A_229 = arith.subi %div3A_203, %sub3A_228 : vector<1x1024xi32>
    %select_n3A_230 = arith.select %and3A_226, %sub3A_229, %div3A_203 : vector<1x1024xi1>, vector<1x1024xi32>
    %mul3A_231 = arith.constant 8 : i32
    %mul3A_232 = arith.muli %arg1, %mul3A_231 : i32
    %add3A_233 = vector.broadcast %mul3A_232 : i32 to vector<1x1024xi32>
    %add3A_234 = arith.addi %select_n3A_230, %add3A_233 : vector<1x1024xi32>
    %sub3A_235 = arith.constant 1 : i32
    %sub3A_236 = vector.broadcast %sub3A_235 : i32 to vector<1x1024xi32>
    %sub3A_237 = arith.subi %add3A_234, %sub3A_236 : vector<1x1024xi32>
    %ge3A = arith.constant 0 : i32
    %ge3A_238 = vector.broadcast %ge3A : i32 to vector<1x1024xi32>
    %ge3A_239 = arith.cmpi sge, %sub3A_237, %ge3A_238 : vector<1x1024xi32>
    %lt3A_240 = arith.constant 128 : i32
    %lt3A_241 = vector.broadcast %lt3A_240 : i32 to vector<1x1024xi32>
    %lt3A_242 = arith.cmpi slt, %sub3A_237, %lt3A_241 : vector<1x1024xi32>
    %and3A_243 = arith.andi %ge3A_239, %lt3A_242 : vector<1x1024xi1>
    %jit3A_244 = arith.constant 0.000000e+00 : f32
    %broadcast_in_dim3A_245 = vector.shape_cast %and3A_243 : vector<1x1024xi1> to vector<1x1024xi1>
    %broadcast_in_dim3A_246 = vector.broadcast %broadcast_in_dim3A_245 : vector<1x1024xi1> to vector<512x1024xi1>
    %broadcast_in_dim3A_247 = vector.broadcast %jit3A_244 : f32 to vector<512x1024xf32>
    %select_n3A_248 = arith.select %broadcast_in_dim3A_246, %mul3A_199, %broadcast_in_dim3A_247 : vector<512x1024xi1>, vector<512x1024xf32>
    %convert_element_type3A_249 = arith.truncf %select_n3A_248 : vector<512x1024xf32> to vector<512x1024xbf16>
    %gt3A = arith.constant 0 : i32
    %gt3A_250 = arith.cmpi sgt, %arg1, %gt3A : i32
    %convert_element_type3A_251 = arith.extui %gt3A_250 : i1 to i32
    %cond3A_252 = arith.constant 0 : i32
    %cond3A_253 = arith.cmpi ne, %convert_element_type3A_251, %cond3A_252 : i32
    scf.if %cond3A_253 {
      %get3A_259 = arith.constant 0 : index
      %get3A_260 = arith.constant 0 : index
      %get3A_261 = vector.load %arg15[%get3A_259, %get3A_260] : memref<512x1024xbf16, #tpu.memory_space<vmem>>, vector<512x1024xbf16>
      %slice3A_262 = vector.extract_strided_slice %convert_element_type3A_249 {offsets = [0, 0], sizes = [512, 256], strides = [1, 1]} : vector<512x1024xbf16> to vector<512x256xbf16>
      %concatenate3A_263 = tpu.concatenate %get3A_261, %slice3A_262 in 1 : vector<512x1024xbf16>, vector<512x256xbf16> -> vector<512x1280xbf16>
      %slice3A_264 = vector.extract_strided_slice %concatenate3A_263 {offsets = [0, 1279], sizes = [512, 1], strides = [1, 1]} : vector<512x1280xbf16> to vector<512x1xbf16>
      %slice3A_265 = vector.extract_strided_slice %concatenate3A_263 {offsets = [0, 0], sizes = [512, 1279], strides = [1, 1]} : vector<512x1280xbf16> to vector<512x1279xbf16>
      %concatenate3A_266 = tpu.concatenate %slice3A_264, %slice3A_265 in 1 : vector<512x1xbf16>, vector<512x1279xbf16> -> vector<512x1280xbf16>
      %iota3A_267 = tpu.iota {dimensions = array<i32: 1>} : vector<1x1280xi32>
      %jit3A_268 = arith.constant 128 : i32
      %eq3A_269 = arith.constant 0 : i32
      %eq3A_270 = arith.cmpi eq, %jit3A_268, %eq3A_269 : i32
      %jit3A_271 = arith.constant 1 : i32
      %select_n3A_272 = arith.select %eq3A_270, %jit3A_271, %jit3A_268 : i32
      %rem3A_273 = vector.broadcast %select_n3A_272 : i32 to vector<1x1280xi32>
      %rem3A_274 = arith.remsi %iota3A_267, %rem3A_273 : vector<1x1280xi32>
      %ne3A_275 = arith.constant 0 : i32
      %ne3A_276 = vector.broadcast %ne3A_275 : i32 to vector<1x1280xi32>
      %ne3A_277 = arith.cmpi ne, %rem3A_274, %ne3A_276 : vector<1x1280xi32>
      %lt3A_278 = arith.constant 0 : i32
      %lt3A_279 = vector.broadcast %lt3A_278 : i32 to vector<1x1280xi32>
      %lt3A_280 = arith.cmpi slt, %rem3A_274, %lt3A_279 : vector<1x1280xi32>
      %lt3A_281 = arith.constant 0 : i32
      %lt3A_282 = arith.cmpi slt, %select_n3A_272, %lt3A_281 : i32
      %ne3A_283 = vector.broadcast %lt3A_282 : i1 to vector<1x1280xi1>
      %ne3A_284 = vector.broadcast %ne3A_283 : vector<1x1280xi1> to vector<1x1280xi1>
      %ne3A_285 = arith.xori %lt3A_280, %ne3A_284 : vector<1x1280xi1>
      %and3A_286 = arith.andi %ne3A_285, %ne3A_277 : vector<1x1280xi1>
      %add3A_287 = vector.broadcast %select_n3A_272 : i32 to vector<1x1280xi32>
      %add3A_288 = arith.addi %rem3A_274, %add3A_287 : vector<1x1280xi32>
      %select_n3A_289 = arith.select %and3A_286, %add3A_288, %rem3A_274 : vector<1x1280xi1>, vector<1x1280xi32>
      %eq3A_290 = arith.constant 0 : i32
      %eq3A_291 = vector.broadcast %eq3A_290 : i32 to vector<1x1280xi32>
      %eq3A_292 = arith.cmpi eq, %select_n3A_289, %eq3A_291 : vector<1x1280xi32>
      %jit3A_293 = arith.constant 0.000000e+00 : bf16
      %broadcast_in_dim3A_294 = vector.shape_cast %eq3A_292 : vector<1x1280xi1> to vector<1x1280xi1>
      %broadcast_in_dim3A_295 = vector.broadcast %broadcast_in_dim3A_294 : vector<1x1280xi1> to vector<512x1280xi1>
      %broadcast_in_dim3A_296 = vector.broadcast %jit3A_293 : bf16 to vector<512x1280xbf16>
      %select_n3A_297 = arith.select %broadcast_in_dim3A_295, %broadcast_in_dim3A_296, %concatenate3A_266 : vector<512x1280xi1>, vector<512x1280xbf16>
      %slice3A_298 = vector.extract_strided_slice %concatenate3A_263 {offsets = [0, 1], sizes = [512, 1279], strides = [1, 1]} : vector<512x1280xbf16> to vector<512x1279xbf16>
      %slice3A_299 = vector.extract_strided_slice %concatenate3A_263 {offsets = [0, 0], sizes = [512, 1], strides = [1, 1]} : vector<512x1280xbf16> to vector<512x1xbf16>
      %concatenate3A_300 = tpu.concatenate %slice3A_298, %slice3A_299 in 1 : vector<512x1279xbf16>, vector<512x1xbf16> -> vector<512x1280xbf16>
      %iota3A_301 = tpu.iota {dimensions = array<i32: 1>} : vector<1x1280xi32>
      %jit3A_302 = arith.constant 128 : i32
      %eq3A_303 = arith.constant 0 : i32
      %eq3A_304 = arith.cmpi eq, %jit3A_302, %eq3A_303 : i32
      %jit3A_305 = arith.constant 1 : i32
      %select_n3A_306 = arith.select %eq3A_304, %jit3A_305, %jit3A_302 : i32
      %rem3A_307 = vector.broadcast %select_n3A_306 : i32 to vector<1x1280xi32>
      %rem3A_308 = arith.remsi %iota3A_301, %rem3A_307 : vector<1x1280xi32>
      %ne3A_309 = arith.constant 0 : i32
      %ne3A_310 = vector.broadcast %ne3A_309 : i32 to vector<1x1280xi32>
      %ne3A_311 = arith.cmpi ne, %rem3A_308, %ne3A_310 : vector<1x1280xi32>
      %lt3A_312 = arith.constant 0 : i32
      %lt3A_313 = vector.broadcast %lt3A_312 : i32 to vector<1x1280xi32>
      %lt3A_314 = arith.cmpi slt, %rem3A_308, %lt3A_313 : vector<1x1280xi32>
      %lt3A_315 = arith.constant 0 : i32
      %lt3A_316 = arith.cmpi slt, %select_n3A_306, %lt3A_315 : i32
      %ne3A_317 = vector.broadcast %lt3A_316 : i1 to vector<1x1280xi1>
      %ne3A_318 = vector.broadcast %ne3A_317 : vector<1x1280xi1> to vector<1x1280xi1>
      %ne3A_319 = arith.xori %lt3A_314, %ne3A_318 : vector<1x1280xi1>
      %and3A_320 = arith.andi %ne3A_319, %ne3A_311 : vector<1x1280xi1>
      %add3A_321 = vector.broadcast %select_n3A_306 : i32 to vector<1x1280xi32>
      %add3A_322 = arith.addi %rem3A_308, %add3A_321 : vector<1x1280xi32>
      %select_n3A_323 = arith.select %and3A_320, %add3A_322, %rem3A_308 : vector<1x1280xi1>, vector<1x1280xi32>
      %eq3A_324 = arith.constant 127 : i32
      %eq3A_325 = vector.broadcast %eq3A_324 : i32 to vector<1x1280xi32>
      %eq3A_326 = arith.cmpi eq, %select_n3A_323, %eq3A_325 : vector<1x1280xi32>
      %jit3A_327 = arith.constant 0.000000e+00 : bf16
      %broadcast_in_dim3A_328 = vector.shape_cast %eq3A_326 : vector<1x1280xi1> to vector<1x1280xi1>
      %broadcast_in_dim3A_329 = vector.broadcast %broadcast_in_dim3A_328 : vector<1x1280xi1> to vector<512x1280xi1>
      %broadcast_in_dim3A_330 = vector.broadcast %jit3A_327 : bf16 to vector<512x1280xbf16>
      %select_n3A_331 = arith.select %broadcast_in_dim3A_329, %broadcast_in_dim3A_330, %concatenate3A_300 : vector<512x1280xi1>, vector<512x1280xbf16>
      %broadcast_in_dim3A_332 = arith.constant 0.000000e+00 : f32
      %broadcast_in_dim3A_333 = vector.broadcast %broadcast_in_dim3A_332 : f32 to vector<256x1024xf32>
      %get3A_334 = arith.constant 0 : index
      %get3A_335 = arith.constant 0 : index
      %get3A_336 = vector.load %arg17[%get3A_334, %get3A_335] : memref<256x4608xbf16, #tpu.memory_space<vmem>>, vector<256x512xbf16>
      %slice3A_337 = vector.extract_strided_slice %select_n3A_297 {offsets = [0, 0], sizes = [512, 1024], strides = [1, 1]} : vector<512x1280xbf16> to vector<512x1024xbf16>
      %dot_general3A_338 = arith.constant dense<0.000000e+00> : vector<256x1024xf32>
      %dot_general3A_339 = tpu.matmul %get3A_336, %slice3A_337, %dot_general3A_338 {dimension_numbers = #tpu.dot_dimension_numbers<[1], [0], [0], [1], [0, 0, 1, 1], [], []>, transpose_lhs_hint = false} : vector<256x512xbf16>, vector<512x1024xbf16>, vector<256x1024xf32> -> vector<256x1024xf32>
      %add3A_340 = arith.addf %broadcast_in_dim3A_333, %dot_general3A_339 : vector<256x1024xf32>
      %get3A_341 = arith.constant 0 : index
      %get3A_342 = arith.constant 512 : index
      %get3A_343 = vector.load %arg17[%get3A_341, %get3A_342] : memref<256x4608xbf16, #tpu.memory_space<vmem>>, vector<256x512xbf16>
      %slice3A_344 = vector.extract_strided_slice %concatenate3A_263 {offsets = [0, 0], sizes = [512, 1024], strides = [1, 1]} : vector<512x1280xbf16> to vector<512x1024xbf16>
      %dot_general3A_345 = arith.constant dense<0.000000e+00> : vector<256x1024xf32>
      %dot_general3A_346 = tpu.matmul %get3A_343, %slice3A_344, %dot_general3A_345 {dimension_numbers = #tpu.dot_dimension_numbers<[1], [0], [0], [1], [0, 0, 1, 1], [], []>, transpose_lhs_hint = false} : vector<256x512xbf16>, vector<512x1024xbf16>, vector<256x1024xf32> -> vector<256x1024xf32>
      %add3A_347 = arith.addf %add3A_340, %dot_general3A_346 : vector<256x1024xf32>
      %get3A_348 = arith.constant 0 : index
      %get3A_349 = arith.constant 1024 : index
      %get3A_350 = vector.load %arg17[%get3A_348, %get3A_349] : memref<256x4608xbf16, #tpu.memory_space<vmem>>, vector<256x512xbf16>
      %slice3A_351 = vector.extract_strided_slice %select_n3A_331 {offsets = [0, 0], sizes = [512, 1024], strides = [1, 1]} : vector<512x1280xbf16> to vector<512x1024xbf16>
      %dot_general3A_352 = arith.constant dense<0.000000e+00> : vector<256x1024xf32>
      %dot_general3A_353 = tpu.matmul %get3A_350, %slice3A_351, %dot_general3A_352 {dimension_numbers = #tpu.dot_dimension_numbers<[1], [0], [0], [1], [0, 0, 1, 1], [], []>, transpose_lhs_hint = false} : vector<256x512xbf16>, vector<512x1024xbf16>, vector<256x1024xf32> -> vector<256x1024xf32>
      %add3A_354 = arith.addf %add3A_347, %dot_general3A_353 : vector<256x1024xf32>
      %get3A_355 = arith.constant 0 : index
      %get3A_356 = arith.constant 1536 : index
      %get3A_357 = vector.load %arg17[%get3A_355, %get3A_356] : memref<256x4608xbf16, #tpu.memory_space<vmem>>, vector<256x512xbf16>
      %slice3A_358 = vector.extract_strided_slice %select_n3A_297 {offsets = [0, 128], sizes = [512, 1024], strides = [1, 1]} : vector<512x1280xbf16> to vector<512x1024xbf16>
      %dot_general3A_359 = arith.constant dense<0.000000e+00> : vector<256x1024xf32>
      %dot_general3A_360 = tpu.matmul %get3A_357, %slice3A_358, %dot_general3A_359 {dimension_numbers = #tpu.dot_dimension_numbers<[1], [0], [0], [1], [0, 0, 1, 1], [], []>, transpose_lhs_hint = false} : vector<256x512xbf16>, vector<512x1024xbf16>, vector<256x1024xf32> -> vector<256x1024xf32>
      %add3A_361 = arith.addf %add3A_354, %dot_general3A_360 : vector<256x1024xf32>
      %get3A_362 = arith.constant 0 : index
      %get3A_363 = arith.constant 2048 : index
      %get3A_364 = vector.load %arg17[%get3A_362, %get3A_363] : memref<256x4608xbf16, #tpu.memory_space<vmem>>, vector<256x512xbf16>
      %slice3A_365 = vector.extract_strided_slice %concatenate3A_263 {offsets = [0, 128], sizes = [512, 1024], strides = [1, 1]} : vector<512x1280xbf16> to vector<512x1024xbf16>
      %dot_general3A_366 = arith.constant dense<0.000000e+00> : vector<256x1024xf32>
      %dot_general3A_367 = tpu.matmul %get3A_364, %slice3A_365, %dot_general3A_366 {dimension_numbers = #tpu.dot_dimension_numbers<[1], [0], [0], [1], [0, 0, 1, 1], [], []>, transpose_lhs_hint = false} : vector<256x512xbf16>, vector<512x1024xbf16>, vector<256x1024xf32> -> vector<256x1024xf32>
      %add3A_368 = arith.addf %add3A_361, %dot_general3A_367 : vector<256x1024xf32>
      %get3A_369 = arith.constant 0 : index
      %get3A_370 = arith.constant 2560 : index
      %get3A_371 = vector.load %arg17[%get3A_369, %get3A_370] : memref<256x4608xbf16, #tpu.memory_space<vmem>>, vector<256x512xbf16>
      %slice3A_372 = vector.extract_strided_slice %select_n3A_331 {offsets = [0, 128], sizes = [512, 1024], strides = [1, 1]} : vector<512x1280xbf16> to vector<512x1024xbf16>
      %dot_general3A_373 = arith.constant dense<0.000000e+00> : vector<256x1024xf32>
      %dot_general3A_374 = tpu.matmul %get3A_371, %slice3A_372, %dot_general3A_373 {dimension_numbers = #tpu.dot_dimension_numbers<[1], [0], [0], [1], [0, 0, 1, 1], [], []>, transpose_lhs_hint = false} : vector<256x512xbf16>, vector<512x1024xbf16>, vector<256x1024xf32> -> vector<256x1024xf32>
      %add3A_375 = arith.addf %add3A_368, %dot_general3A_374 : vector<256x1024xf32>
      %get3A_376 = arith.constant 0 : index
      %get3A_377 = arith.constant 3072 : index
      %get3A_378 = vector.load %arg17[%get3A_376, %get3A_377] : memref<256x4608xbf16, #tpu.memory_space<vmem>>, vector<256x512xbf16>
      %slice3A_379 = vector.extract_strided_slice %select_n3A_297 {offsets = [0, 256], sizes = [512, 1024], strides = [1, 1]} : vector<512x1280xbf16> to vector<512x1024xbf16>
      %dot_general3A_380 = arith.constant dense<0.000000e+00> : vector<256x1024xf32>
      %dot_general3A_381 = tpu.matmul %get3A_378, %slice3A_379, %dot_general3A_380 {dimension_numbers = #tpu.dot_dimension_numbers<[1], [0], [0], [1], [0, 0, 1, 1], [], []>, transpose_lhs_hint = false} : vector<256x512xbf16>, vector<512x1024xbf16>, vector<256x1024xf32> -> vector<256x1024xf32>
      %add3A_382 = arith.addf %add3A_375, %dot_general3A_381 : vector<256x1024xf32>
      %get3A_383 = arith.constant 0 : index
      %get3A_384 = arith.constant 3584 : index
      %get3A_385 = vector.load %arg17[%get3A_383, %get3A_384] : memref<256x4608xbf16, #tpu.memory_space<vmem>>, vector<256x512xbf16>
      %slice3A_386 = vector.extract_strided_slice %concatenate3A_263 {offsets = [0, 256], sizes = [512, 1024], strides = [1, 1]} : vector<512x1280xbf16> to vector<512x1024xbf16>
      %dot_general3A_387 = arith.constant dense<0.000000e+00> : vector<256x1024xf32>
      %dot_general3A_388 = tpu.matmul %get3A_385, %slice3A_386, %dot_general3A_387 {dimension_numbers = #tpu.dot_dimension_numbers<[1], [0], [0], [1], [0, 0, 1, 1], [], []>, transpose_lhs_hint = false} : vector<256x512xbf16>, vector<512x1024xbf16>, vector<256x1024xf32> -> vector<256x1024xf32>
      %add3A_389 = arith.addf %add3A_382, %dot_general3A_388 : vector<256x1024xf32>
      %get3A_390 = arith.constant 0 : index
      %get3A_391 = arith.constant 4096 : index
      %get3A_392 = vector.load %arg17[%get3A_390, %get3A_391] : memref<256x4608xbf16, #tpu.memory_space<vmem>>, vector<256x512xbf16>
      %slice3A_393 = vector.extract_strided_slice %select_n3A_331 {offsets = [0, 256], sizes = [512, 1024], strides = [1, 1]} : vector<512x1280xbf16> to vector<512x1024xbf16>
      %dot_general3A_394 = arith.constant dense<0.000000e+00> : vector<256x1024xf32>
      %dot_general3A_395 = tpu.matmul %get3A_392, %slice3A_393, %dot_general3A_394 {dimension_numbers = #tpu.dot_dimension_numbers<[1], [0], [0], [1], [0, 0, 1, 1], [], []>, transpose_lhs_hint = false} : vector<256x512xbf16>, vector<512x1024xbf16>, vector<256x1024xf32> -> vector<256x1024xf32>
      %add3A_396 = arith.addf %add3A_389, %dot_general3A_395 : vector<256x1024xf32>
      %get3A_397 = arith.constant 0 : index
      %get3A_398 = arith.constant 0 : index
      %get3A_399 = vector.load %arg9[%get3A_397, %get3A_398] : memref<256x1xf32, #tpu.memory_space<vmem>>, vector<256x1xf32>
      %mul3A_400 = vector.broadcast %get3A_399 : vector<256x1xf32> to vector<256x1024xf32>
      %mul3A_401 = arith.mulf %add3A_396, %mul3A_400 : vector<256x1024xf32>
      %get3A_402 = arith.constant 0 : index
      %get3A_403 = arith.constant 0 : index
      %get3A_404 = vector.load %arg10[%get3A_402, %get3A_403] : memref<256x1xf32, #tpu.memory_space<vmem>>, vector<256x1xf32>
      %add3A_405 = vector.broadcast %get3A_404 : vector<256x1xf32> to vector<256x1024xf32>
      %add3A_406 = arith.addf %mul3A_401, %add3A_405 : vector<256x1024xf32>
      %get3A_407 = arith.constant 0 : index
      %get3A_408 = arith.constant 0 : index
      %get3A_409 = vector.load %arg14[%get3A_407, %get3A_408] : memref<256x1024xf32, #tpu.memory_space<vmem>>, vector<256x1024xf32>
      %add3A_410 = arith.addf %add3A_406, %get3A_409 : vector<256x1024xf32>
      %reduce_sum3A_411 = arith.constant dense<0.000000e+00> : vector<1024xf32>
      %reduce_sum3A_412 = vector.multi_reduction <add>, %add3A_410, %reduce_sum3A_411 [0] : vector<256x1024xf32> to vector<1024xf32>
      %broadcast_in_dim3A_413 = vector.shape_cast %reduce_sum3A_412 : vector<1024xf32> to vector<1x1024xf32>
      %div3A_414 = arith.constant 2.560000e+02 : f32
      %div3A_415 = vector.broadcast %div3A_414 : f32 to vector<1x1024xf32>
      %div3A_416 = arith.divf %broadcast_in_dim3A_413, %div3A_415 : vector<1x1024xf32>
      %sub3A_417 = vector.broadcast %div3A_416 : vector<1x1024xf32> to vector<256x1024xf32>
      %sub3A_418 = arith.subf %add3A_410, %sub3A_417 : vector<256x1024xf32>
      %mul3A_419 = arith.mulf %sub3A_418, %sub3A_418 : vector<256x1024xf32>
      %reduce_sum3A_420 = arith.constant dense<0.000000e+00> : vector<1024xf32>
      %reduce_sum3A_421 = vector.multi_reduction <add>, %mul3A_419, %reduce_sum3A_420 [0] : vector<256x1024xf32> to vector<1024xf32>
      %broadcast_in_dim3A_422 = vector.shape_cast %reduce_sum3A_421 : vector<1024xf32> to vector<1x1024xf32>
      %div3A_423 = arith.constant 2.560000e+02 : f32
      %div3A_424 = vector.broadcast %div3A_423 : f32 to vector<1x1024xf32>
      %div3A_425 = arith.divf %broadcast_in_dim3A_422, %div3A_424 : vector<1x1024xf32>
      %add3A_426 = arith.constant 9.99999974E-6 : f32
      %add3A_427 = vector.broadcast %add3A_426 : f32 to vector<1x1024xf32>
      %add3A_428 = arith.addf %div3A_425, %add3A_427 : vector<1x1024xf32>
      %rsqrt3A = math.rsqrt %add3A_428 : vector<1x1024xf32>
      %mul3A_429 = vector.broadcast %rsqrt3A : vector<1x1024xf32> to vector<256x1024xf32>
      %mul3A_430 = arith.mulf %sub3A_418, %mul3A_429 : vector<256x1024xf32>
      %get3A_431 = arith.constant 0 : index
      %get3A_432 = arith.constant 0 : index
      %get3A_433 = vector.load %arg11[%get3A_431, %get3A_432] : memref<256x1xf32, #tpu.memory_space<vmem>>, vector<256x1xf32>
      %mul3A_434 = vector.broadcast %get3A_433 : vector<256x1xf32> to vector<256x1024xf32>
      %mul3A_435 = arith.mulf %mul3A_430, %mul3A_434 : vector<256x1024xf32>
      %get3A_436 = arith.constant 0 : index
      %get3A_437 = arith.constant 0 : index
      %get3A_438 = vector.load %arg12[%get3A_436, %get3A_437] : memref<256x1xf32, #tpu.memory_space<vmem>>, vector<256x1xf32>
      %add3A_439 = vector.broadcast %get3A_438 : vector<256x1xf32> to vector<256x1024xf32>
      %add3A_440 = arith.addf %mul3A_435, %add3A_439 : vector<256x1024xf32>
      %swap3A_441 = arith.constant 0 : index
      %swap3A_442 = arith.constant 0 : index
      %swap3A_443 = arith.constant 0 : index
      %swap3A_444 = vector.load %arg13[%swap3A_441, %swap3A_442, %swap3A_443] : memref<1x256x1024xf32, #tpu.memory_space<vmem>>, vector<1x256x1024xf32>
      %swap3A_445 = vector.shape_cast %swap3A_444 : vector<1x256x1024xf32> to vector<256x1024xf32>
      %swap3A_446 = vector.shape_cast %add3A_440 : vector<256x1024xf32> to vector<1x256x1024xf32>
      tpu.vector_store %arg13[%swap3A_441, %swap3A_442, %swap3A_443], %swap3A_446 {strides = array<i32>} : memref<1x256x1024xf32, #tpu.memory_space<vmem>>, vector<1x256x1024xf32>,
    } else {
    }
    %swap3A = arith.constant 0 : index
    %swap3A_254 = arith.constant 0 : index
    %swap3A_255 = vector.load %arg14[%swap3A, %swap3A_254] : memref<256x1024xf32, #tpu.memory_space<vmem>>, vector<256x1024xf32>
    tpu.vector_store %arg14[%swap3A, %swap3A_254], %select_n3A {strides = array<i32>} : memref<256x1024xf32, #tpu.memory_space<vmem>>, vector<256x1024xf32>,
    %swap3A_256 = arith.constant 0 : index
    %swap3A_257 = arith.constant 0 : index
    %swap3A_258 = vector.load %arg15[%swap3A_256, %swap3A_257] : memref<512x1024xbf16, #tpu.memory_space<vmem>>, vector<512x1024xbf16>
    tpu.vector_store %arg15[%swap3A_256, %swap3A_257], %convert_element_type3A_249 {strides = array<i32>} : memref<512x1024xbf16, #tpu.memory_space<vmem>>, vector<512x1024xbf16>,
    return
  }
  func.func @transform_0(%arg0: i32, %arg1: i32) -> (i32, i32, i32, i32) {
    %min3A = arith.constant 15 : i32
    %min3A_0 = arith.minsi %arg1, %min3A : i32
    %c0_i32 = arith.constant 0 : i32
    %c0_i32_1 = arith.constant 0 : i32
    %c0_i32_2 = arith.constant 0 : i32
    return %arg0, %c0_i32, %c0_i32_1, %min3A_0 : i32, i32, i32, i32
  }
  func.func @transform_1(%arg0: i32, %arg1: i32) -> (i32, i32) {
    %c0_i32 = arith.constant 0 : i32
    %c0_i32_0 = arith.constant 0 : i32
    %c0_i32_1 = arith.constant 0 : i32
    return %c0_i32, %c0_i32_0 : i32, i32
  }
  func.func @transform_2(%arg0: i32, %arg1: i32) -> (i32, i32) {
    %c0_i32 = arith.constant 0 : i32
    %c0_i32_0 = arith.constant 0 : i32
    %c0_i32_1 = arith.constant 0 : i32
    return %c0_i32, %c0_i32_0 : i32, i32
  }
  func.func @transform_3(%arg0: i32, %arg1: i32) -> (i32, i32) {
    %c0_i32 = arith.constant 0 : i32
    %c0_i32_0 = arith.constant 0 : i32
    %c0_i32_1 = arith.constant 0 : i32
    return %c0_i32, %c0_i32_0 : i32, i32
  }
  func.func @transform_4(%arg0: i32, %arg1: i32) -> (i32, i32) {
    %c0_i32 = arith.constant 0 : i32
    %c0_i32_0 = arith.constant 0 : i32
    %c0_i32_1 = arith.constant 0 : i32
    return %c0_i32, %c0_i32_0 : i32, i32
  }
  func.func @transform_5(%arg0: i32, %arg1: i32) -> (i32, i32) {
    %c0_i32 = arith.constant 0 : i32
    %c0_i32_0 = arith.constant 0 : i32
    %c0_i32_1 = arith.constant 0 : i32
    return %c0_i32, %c0_i32_0 : i32, i32
  }
  func.func @transform_6(%arg0: i32, %arg1: i32) -> (i32, i32) {
    %c0_i32 = arith.constant 0 : i32
    %c0_i32_0 = arith.constant 0 : i32
    %c0_i32_1 = arith.constant 0 : i32
    return %c0_i32, %c0_i32_0 : i32, i32
  }
  func.func @transform_7(%arg0: i32, %arg1: i32) -> (i32, i32) {
    %c0_i32 = arith.constant 0 : i32
    %c0_i32_0 = arith.constant 0 : i32
    %c0_i32_1 = arith.constant 0 : i32
    return %c0_i32, %c0_i32_0 : i32, i32
  }
  func.func @transform_8(%arg0: i32, %arg1: i32) -> (i32, i32) {
    %c0_i32 = arith.constant 0 : i32
    %c0_i32_0 = arith.constant 0 : i32
    %c0_i32_1 = arith.constant 0 : i32
    return %c0_i32, %c0_i32_0 : i32, i32
  }
  func.func @transform_9(%arg0: i32, %arg1: i32) -> (i32, i32) {
    %c0_i32 = arith.constant 0 : i32
    %c0_i32_0 = arith.constant 0 : i32
    %c0_i32_1 = arith.constant 0 : i32
    return %c0_i32, %c0_i32_0 : i32, i32
  }
  func.func @transform_10(%arg0: i32, %arg1: i32) -> (i32, i32) {
    %c0_i32 = arith.constant 0 : i32
    %c0_i32_0 = arith.constant 0 : i32
    %c0_i32_1 = arith.constant 0 : i32
    return %c0_i32, %c0_i32_0 : i32, i32
  }
  func.func @transform_11(%arg0: i32, %arg1: i32) -> (i32, i32, i32) {
    %sub3A = arith.constant 1 : i32
    %sub3A_0 = arith.subi %arg1, %sub3A : i32
    %max3A = arith.constant 0 : i32
    %max3A_1 = arith.maxsi %sub3A_0, %max3A : i32
    %c0_i32 = arith.constant 0 : i32
    %c0_i32_2 = arith.constant 0 : i32
    return %arg0, %c0_i32, %max3A_1 : i32, i32, i32
  }
}

</mosaic_0001>

<sc_bundles>
// kernel: sparse-core-data-format-call.cloned.1.call-start
scs
called_computation_lowered:
.L_overlay_start_0:
0x0: {  	s2 =	sld [smem:$0x3FD9]  }
0x1: {  	s3 =	sld [smem:$0x3FFE];
	_ =	sdelay $0x1  }
0x2: {  	s1 =	srdreg.scid  }
0x3: {  	s0 =	sand.u32 $0x1, s1  }
0x4: {  	s18 =	sshll.u32 s0, $0xA;
	s2 =	sadd.s32 s3, s2  }
0x5: {  	s2 =	sadd.s32 s2, s18  }
0x6: {  	[smem:$0x3FBB] =	sst s2  }
0x7: {  	_ = 	snop  }
0x8: {  	s2 =	sld [smem:$0x3FD0];
	(tm) =	ssettm $0x1  }
0x9: {  	s19 =	sld [smem:$0x3FFB];
	_ =	sdelay $0x3  }
0xa: {  	_ =	strace s19  }
0xb: {  	s3 =	sld [smem:$0x3FFC];
	_ =	sdelay $0x3  }
0xc: {  	_ =	strace s3  }
0xd: {  	s3 =	sld [smem:$0x3FFD];
	_ =	sdelay $0x3  }
0xe: {  	_ =	strace s3  }
0xf: {  	_ =	strace $0x8FFFFFFF  }
0x10: {  	s20 =	sld [smem:$0x3FDB];
	_ =	sdelay $0x1  }
0x11: {  	s4 =	simm.s32 $_scs_section_size  }
0x12: {  	s5 =	simm.s32 $_size__tile_overlayer_lowered;
	s6 =	simm.s32 $_tile_overlayer_lowered  }
0x13: {  	s23 =	simm.s32 $0x1BFF;
	s22 =	sshll.u32 s6, $0x1;
	s3 =	sadd.s32 s4, s20  }
0x14: {  	s7 =	simm.s32 $0x0;
	s21 =	sshll.u32 s5, $0x1;
	s5 =	sadd.s32 s22, s3  }
0x15: {  	[timem:s7], [sflag:s23] =	dma.local [hbm:s5], s21  }
0x16: {  	_ =	swait.ge [sflag:s23], s21  }
0x17: {  	s4 =	ssub.s32 $0x0, s21;
	[sflag:s23] =	ssyncset.done $0x0  }
0x18: {  	[sflag:s23] =	ssyncadd.s32 s4;
	_ =	sdelay $0x1  }
0x19: {  	s24 =	simm.s32 $0x1B8B  }
0x1a: {  	_ =	swait.ge [sflag:s24], $0x1  }
0x1b: {  	[sflag:s24] =	ssyncset.done $0x0  }
0x1c: {  	s26 =	simm.s32 $0x1B8E;
	s25 =	sld [smem:$0x3FFE];
	[sflag:s24] =	ssyncadd.s32 $0xFFFFFFFF  }
0x1d: {  	s27 =	simm.s32 $execute0_lowered;
	[smem:$0x3FD2] =	sst s26  }
0x1e: {  	s5 =	sshll.u32 s27, $0x1;
	_ =	strace $0x80000046;
	[dreg:$0x1] =	wrdreg $0xFFFFFFFF  }
0x1f: {  	s28 =	simm.s32 $_size_execute0_lowered;
	s3 =	sadd.s32 s3, s5;
	[dreg:$0x0] =	wrdreg $0x0  }
0x20: {  	s5 =	sshll.u32 s28, $0x1;
	[dreg:$0x2] =	wrdreg s3  }
0x21: {  	[dreg:$0x3] =	wrdreg s5  }
0x22: {  	[dreg:$0x4] =	wrdreg $0xC0  }
0x23: {  	_ =	task [dreg:s7], $0x5FFFF  }
0x24: {  	[dreg:$0x1] =	wrdreg $0xFFFFFFFF  }
0x25: {  	[dreg:$0x0] =	wrdreg $0x60  }
0x26: {  	[dreg:$0x2] =	wrdreg s25  }
0x27: {  	[dreg:$0x3] =	wrdreg s2  }
0x28: {  	[dreg:$0x4] =	wrdreg $0x9  }
0x29: {  	_ =	task.clear_ibuf [dreg:s7], $0x5FFFF;
	_ =	strace $0x90000046  }
0x2a: {  	s29 =	simm.s32 $0x9;
	_ =	strace $0x80000048  }
0x2b: {  	_ =	swait.ge [sflag:s29], $0x1  }
0x2c: {  	[sflag:s29] =	ssyncadd.s32 $0xFFFFFFFF  }
0x2d: {  	_ =	strace $0x90000048  }
0x2e: {  	_ =	sfence  }
0x2f: {  	s30 =	sld [smem:$0x0];
	_ =	sdelay $0x2  }
0x30: {  	s31 =	sshll.u32 s1, $0xD;
	s1 =	sshrl.u32 s1, $0x2  }
0x31: {  	s3 =	sand.u32 $0x4000, s31;
	s1 =	sadd.s32 s1, s30  }
0x32: {  	s0 =	sor.u32 s3, s0;
	s1 =	sshll.u32 s1, $0x11  }
0x33: {  	s0 =	sor.u32 s1, s0  }
0x34: {  	s0 =	sadd.s32 $0x8F2B, s0  }
0x35: {  	[sflag:s0] =	ssyncadd.remote.s32 $0x1  }
0x36: {  	_ =	sfence.sel $0xFFFF  }
0x37: {  	[dreg:$0x0] =	wrdreg $0xFFFFFFFF;
	(pc) =	sbr.abs _section_cstart, $3  }
0x38: {  	[dreg:$0x1] =	wrdreg $0xFFFFFFFF  }
0x39: {  	_ =	task.clear_ibuf [dreg:s7], $0x2FFFF;
	_ =	strace $0x9FFFFFFF  }
0x3a: {  	(tm) =	ssettm $0x7FFFFFFF  }
0x3b: {  	_ =	shalt  }
tec
execute0_lowered:
.L_overlay_start_1:
0x0: {  	(tag) =	ssettag $0x1  }
0x1: {  	s1 =	rddreg [dreg:$0x0]  }
0x2: {  	s2 =	rddreg [dreg:$0x1]  }
0x3: {  	s0 =	rddreg [dreg:$0x2];
	_ =	strace $0x80000047;
	s4 =	srdreg.scid  }
0x4: {  	s6 =	simm.s32 $0x2;
	s11 =	simm.s32 $0x0;
	p0 =	por $0x0, $0x0  }
.Ltmp0:
0x5: {  	s7 =	simm.s32 $0x4000;
	s12 =	simm.s32 $0x0;
	(pc) =	sbr.rel .LBB1_1-.Ltmp0, $4  }
0x6: {  	s9 =	simm.s32 $0x0;
	s3 =	sadd.s32 $0x32D000, s1;
	s5 =	sshll.u32 s4, $0x4  }
0x7: {  	s1 =	stileid.u32;
	s4 =	simm.s32 $0x1;
	s5 =	sand.u32 $0x10, s5  }
0x8: {  	s8 =	simm.s32 $0x0;
	[sflag:s4] =	ssyncpa.u1 $0x0;
	s5 =	sor.u32 s1, s5  }
0x9: {  	[sflag:s6] =	ssyncpa.u1 $0x0;
	s6 =	simm.s32 $0x800;
	s10 =	smov.u32 s5  }
.LBB1_7:
0xa: {  	s13 =	sadd.s32 $0x10, s9  }
0xb: {  	s11 =	sadd.s32 $0x20, s10;
	s15 =	smov.u32 s10;
	p2 =	sgt.s32 s13, $0x7F  }
0xc: {  	p1 =	slt.u32 s8, $0x2;
	s15 =	smov.u32 @p2 s11  }
0xd: {  	s8 =	sadd.s32 $0x1, s8;
	s13 =	simm.s32 @p2 $0x0;
	p2 =	sgt.s32 s15, $0x3F  }
0xe: {  	s15 =	smov.u32 @p2 s5;
	p2 =	sne.s32 s8, $0x12  }
.Ltmp1:
0xf: {  	_ = 	snop;
	(pc) =	sbr.rel @!p2 .LBB1_8-.Ltmp1, $4  }
0x10: {  	s14 =	simm.s32 @!p1 $0x2  }
0x11: {  	s12 =	smov.u32 s10;
	_ =	swait.ge @!p1 [sflag:s14], $0x4000  }
0x12: {  	p0 =	por !p0, !p0;
	s11 =	smov.u32 s9;
	[sflag:s14] =	ssyncset.done @!p1 $0x0  }
0x13: {  	s9 =	smov.u32 s13;
	[sflag:s14] =	ssyncadd.s32 @!p1 $0xFFFFC000;
	s10 =	smov.u32 s15  }
.LBB1_1:
0x14: {  	p1 =	sgt.u32 s8, $0xF  }
0x15: {  	s13 =	sxor.u32 @!p1 $0xFFFFFFFF, s8;
	s14 =	sshll.u32 @!p1 s10, $0xE  }
0x16: {  	s15 =	sshll.u32 @!p1 s9, $0x7;
	s13 =	sshll.u32 @!p1 s13, $0xE;
	s14 =	sadd.s32 @!p1 s3, s14  }
0x17: {  	s13 =	sand.u32 @!p1 $0x4000, s13;
	s14 =	sadd.s32 @!p1 s15, s14;
	s15 =	simm.s32 @!p1 $0x0  }
0x18: {  	[tilespmem:s13], [sflag:$0x1] =	stream.linear.gather @!p1 [hbm4b:s14+s15], $0x4000, $0x38;
	[tilespmem:$0x10000] =	vst v63  }
0x19: {  	p1 =	seq.s32 s8, $0x0  }
0x1a: {  	p2 =	seq.s32 @!p1 s8, $0x11  }
0x1b: {  	p1 =	por p1, p2  }
.Ltmp2:
0x1c: {  	_ = 	snop;
	(pc) =	sbr.rel @p1 .LBB1_7-.Ltmp2, $1  }
0x1d: {  	_ =	sdelay $0x3  }
0x1e: {  	s13 =	simm.s32 $0x1;
	_ =	swait.ge [sflag:s4], $0x4000;
	s16 =	sshll.u32 s8, $0xE  }
0x1f: {  	s13 =	simm.s32 @!p0 $0x0;
	[sflag:s4] =	ssyncset.done $0x0;
	s31 =	sand.u32 $0x4000, s16  }
0x20: {  	s16 =	simm.s32 $0x0;
	s14 =	sshll.u32 s13, $0xE;
	[sflag:s4] =	ssyncadd.s32 $0xFFFFC000  }
0x21: {  	s13 =	sor.u32 $0x8040, s14;
	s15 =	sor.u32 $0x40, s14;
	s14 =	sor.u32 $0x8000, s31  }
.LBB1_3:
0x22: {  	v0 =	vmov s15;
	_ =	sdelay $0x3  }
0x23: {  	s18 =	simm.s32 $0x0  }
0x24: {  	v6 =	vld.idx.msk [tilespmem:v0+s18+$0x30 ss:$0x1], $0xffff  }
0x25: {  	v7 =	vld.idx.msk [tilespmem:v0+s18+$0xFFFFFFC0 ss:$0x1], $0xffff  }
0x26: {  	v5 =	vld.idx.msk [tilespmem:v0+s18+$0xFFFFFFD0 ss:$0x1], $0xffff  }
0x27: {  	v4 =	vld.idx.msk [tilespmem:v0+s18+$0xFFFFFFE0 ss:$0x1], $0xffff  }
0x28: {  	v3 =	vld.idx.msk [tilespmem:v0+s18+$0xFFFFFFF0 ss:$0x1], $0xffff  }
0x29: {  	v1 =	vld.idx.msk [tilespmem:v0+s18+$0x0 ss:$0x1], $0xffff  }
0x2a: {  	v2 =	vld.idx.msk [tilespmem:v0+s18+$0x10 ss:$0x1], $0xffff;
	[tilespmem:s13+$0x30] =	vst v6  }
0x2b: {  	s17 =	simm.s32 $0x80;
	s19 =	simm.s32 $0x400;
	[tilespmem:s13+$0xFFFFFFC0] =	vst v7;
	v6 =	vld.idx.msk [tilespmem:v0+s18+$0x20 ss:$0x1], $0xffff;
	s18 =	smov.u32 s13  }
.LBB1_4:
0x2c: {  	p1 =	sne.s32 s19, $0xE00;
	v7 =	vld.idx.msk [tilespmem:v0+s17+$0x30 ss:$0x1], $0xffff;
	[tilespmem:s18+$0xFFFFFFD0] =	vst v5  }
0x2d: {  	v8 =	vld.idx.msk [tilespmem:v0+s17+$0xFFFFFFC0 ss:$0x1], $0xffff;
	[tilespmem:s18+$0xFFFFFFE0] =	vst v4  }
0x2e: {  	v5 =	vld.idx.msk [tilespmem:v0+s17+$0xFFFFFFD0 ss:$0x1], $0xffff;
	[tilespmem:s18+$0xFFFFFFF0] =	vst v3  }
.Ltmp3:
0x2f: {  	v4 =	vld.idx.msk [tilespmem:v0+s17+$0xFFFFFFE0 ss:$0x1], $0xffff;
	[tilespmem:s18+$0x0] =	vst v1;
	(pc) =	sbr.rel @p1 .LBB1_4-.Ltmp3, $4  }
0x30: {  	v3 =	vld.idx.msk [tilespmem:v0+s17+$0xFFFFFFF0 ss:$0x1], $0xffff;
	[tilespmem:s18+$0x10] =	vst v2  }
0x31: {  	v1 =	vld.idx.msk [tilespmem:v0+s17+$0x0 ss:$0x1], $0xffff;
	[tilespmem:s18+$0x20] =	vst v6;
	s18 =	sadd.s32 $0x800, s18  }
0x32: {  	v2 =	vld.idx.msk [tilespmem:v0+s17+$0x10 ss:$0x1], $0xffff;
	[tilespmem:s18+$0x30] =	vst v7  }
0x33: {  	[tilespmem:s18+$0xFFFFFFC0] =	vst v8;
	v6 =	vld.idx.msk [tilespmem:v0+s17+$0x20 ss:$0x1], $0xffff;
	s17 =	sshra.s32 s19, $0x2;
	s19 =	sadd.s32 $0x200, s19  }
0x34: {  	_ =	sdelay $0x2  }
0x35: {  	[tilespmem:s18+$0xFFFFFFD0] =	vst v5  }
0x36: {  	v56 =	vld.idx.msk [tilespmem:v0+s17+$0x30 ss:$0x1], $0xffff;
	[tilespmem:s18+$0xFFFFFFE0] =	vst v4  }
0x37: {  	v57 =	vld.idx.msk [tilespmem:v0+s17+$0xFFFFFFC0 ss:$0x1], $0xffff;
	[tilespmem:s18+$0xFFFFFFF0] =	vst v3  }
0x38: {  	v58 =	vld.idx.msk [tilespmem:v0+s17+$0xFFFFFFD0 ss:$0x1], $0xffff;
	[tilespmem:s18+$0x0] =	vst v1  }
0x39: {  	v59 =	vld.idx.msk [tilespmem:v0+s17+$0xFFFFFFE0 ss:$0x1], $0xffff;
	[tilespmem:s18+$0x10] =	vst v2  }
0x3a: {  	v60 =	vld.idx.msk [tilespmem:v0+s17+$0xFFFFFFF0 ss:$0x1], $0xffff;
	s31 =	sadd.s32 $0x800, s18;
	[tilespmem:s18+$0x20] =	vst v6  }
0x3b: {  	v61 =	vld.idx.msk [tilespmem:v0+s17+$0x0 ss:$0x1], $0xffff;
	[tilespmem:s31+$0x30] =	vst v56  }
0x3c: {  	v62 =	vld.idx.msk [tilespmem:v0+s17+$0x10 ss:$0x1], $0xffff;
	s16 =	sadd.s32 $0x1, s16;
	[tilespmem:s31+$0xFFFFFFC0] =	vst v57  }
0x3d: {  	v63 =	vld.idx.msk [tilespmem:v0+s17+$0x20 ss:$0x1], $0xffff;
	p1 =	sne.s32 s16, $0x10;
	[tilespmem:s31+$0xFFFFFFD0] =	vst v58  }
.Ltmp4:
0x3e: {  	[tilespmem:s31+$0xFFFFFFE0] =	vst v59;
	(pc) =	sbr.rel @p1 .LBB1_3-.Ltmp4, $4  }
0x3f: {  	[tilespmem:s31+$0xFFFFFFF0] =	vst v60  }
0x40: {  	[tilespmem:s31+$0x0] =	vst v61  }
0x41: {  	[tilespmem:s31+$0x10] =	vst v62  }
0x42: {  	s13 =	sadd.s32 $0x80, s13;
	s15 =	sadd.s32 $0x400, s15;
	[tilespmem:s31+$0x20] =	vst v63  }
.Ltmp5:
0x43: {  	(pc) =	sbr.rel .LBB1_7-.Ltmp5, $4  }
0x44: {  	s12 =	sshll.u32 s12, $0xE;
	s11 =	sshll.u32 s11, $0x4  }
0x45: {  	s11 =	sand.u32 $0x7F0, s11;
	s12 =	sadd.s32 s2, s12  }
0x46: {  	s11 =	sadd.s32 s11, s12  }
0x47: {  	[hbm4b:s11+s6] =	stream.strided.scatter [tilespmem:s14], [sflag:$0x2], $0x4000, s7, s6, $0x38;
	[tilespmem:$0x10000] =	vst v63  }
.LBB1_8:
0x48: {  	_ =	sfence.sel $0x180000  }
0x49: {  	s2 =	simm.s32 $0x1;
	[bflag:$0x0] =	sbarrier.arrive $0xFFFF  }
0x4a: {  	s31 =	simm.s32 $0x2;
	[sflag:s2] =	ssyncpa.u1 $0x1  }
0x4b: {  	[sflag:s31] =	ssyncpa.u1 $0x1  }
0x4c: {  	p0 =	sne.s32 s1, $0x0;
	_ =	strace $0x90000047  }
0x4d: {  	s0 =	sadd.s32 @!p0 $0x100000, s0;
	[bflag:$0x2] =	sbarrier.arrive $0xFFFF  }
0x4e: {  	[sflag:s0] =	ssyncadd.tile.s32 @!p0 $0x1;
	_ =	shalt  }
.Lfunc_end1:
_tile_overlayer_lowered:
.L_overlay_start_2:
0x4f: {  	(tag) =	ssettag $0x2  }
0x50: {  	s0 =	rddreg [dreg:$0x0];
	s2 =	stileid.u32  }
0x51: {  	s1 =	rddreg [dreg:$0x1];
	p0 =	sne.s32 s2, $0x0  }
0x52: {  	s3 =	rddreg [dreg:$0x2];
	[bflag:$0x3] =	sbarrier.arrive $0xFFFF;
	s2 =	simm.s32 @!p0 $0x1C01  }
0x53: {  	[timem:s3], [sflag:s2] =	dma.local @!p0 [hbm:s0], s1  }
0x54: {  	s0 =	simm.s32 @!p0 $0x1  }
0x55: {  	_ =	swait.ge @!p0 [sflag:s0], s1  }
0x56: {  	s1 =	ssub.s32 @!p0 $0x0, s1;
	[sflag:s0] =	ssyncset.done @!p0 $0x0  }
0x57: {  	[sflag:s0] =	ssyncadd.s32 @!p0 s1  }
0x58: {  	[bflag:$0x3] =	sbarrier.arrive $0xFFFF  }
0x59: {  	_ =	shalt  }

</sc_bundles>
